<compile_context>
chip_gen: v7x
topology: tpu7x:2x2x1
jax: 0.10.2.dev20260603
libtpu: 0.0.44.dev20260713+nightly
codegen_flags: <defaults>
</compile_context>

<pallas_src>
import functools

import jax
import jax.numpy as jnp
from jax import lax
from jax.experimental import pallas as pl
from jax.experimental.pallas import tpu as pltpu
from jax.experimental.pallas import tpu_sc as plsc

_BS = 16384
_EMB = 128
_R_VOCAB = 1000
_CHUNK = 128
_NC = 2
_NS = 16
_NW = _NC * _NS
_NROWS = _BS // _CHUNK
_CPW = _NROWS // _NW
_NTASK = 3 * _CPW
_NBUF = 7
_LOOK = 4

_mesh = plsc.VectorSubcoreMesh(core_axis_name="c", subcore_axis_name="s")


@functools.partial(
    pl.kernel,
    mesh=_mesh,
    out_type=(
        jax.ShapeDtypeStruct((_BS, _EMB), jnp.float32),
        jax.ShapeDtypeStruct((_BS, _EMB), jnp.float32),
        jax.ShapeDtypeStruct((_BS, _EMB), jnp.float32),
    ),
    scratch_types=(
        [pltpu.VMEM((_NTASK, _CHUNK), jnp.int32),
         pltpu.VMEM((_NBUF, _CHUNK, _EMB), jnp.float32),
         pltpu.VMEM_SHARED((_R_VOCAB, _EMB), jnp.float32)]
        + [pltpu.SemaphoreType.DMA] * (2 * _NBUF)
    ),
)
def _lookup(h_hbm, r_hbm, t_hbm, emb_e_hbm, emb_r_hbm,
            out_h, out_r, out_t, idx_v, rows_v, emb_r_sp, *sems):
    gsem, ssem = sems[:_NBUF], sems[_NBUF:]
    wid = lax.axis_index("s") * _NC + lax.axis_index("c")
    c0 = wid * _CPW

    @pl.when(lax.axis_index("s") == 0)
    def _stage():
        pltpu.sync_copy(emb_r_hbm, emb_r_sp)

    pltpu.sync_copy(h_hbm.at[pl.ds(c0, _CPW)], idx_v.at[pl.ds(0, _CPW)])
    pltpu.sync_copy(r_hbm.at[pl.ds(c0, _CPW)], idx_v.at[pl.ds(_CPW, _CPW)])
    pltpu.sync_copy(t_hbm.at[pl.ds(c0, _CPW)], idx_v.at[pl.ds(2 * _CPW, _CPW)])

    plsc.subcore_barrier()

    tasks = []
    for j in range(_CPW):
        tasks.append((j, emb_e_hbm, out_h, (c0 + j) * _CHUNK))
        tasks.append((_CPW + j, emb_r_sp, out_r, (c0 + j) * _CHUNK))
        tasks.append((2 * _CPW + j, emb_e_hbm, out_t, (c0 + j) * _CHUNK))

    def fire_gather(i):
        slot, table, _, _ = tasks[i]
        return pltpu.async_copy(
            table.at[idx_v.at[slot]], rows_v.at[i % _NBUF], gsem[i % _NBUF])

    g_desc = [None] * _NTASK
    s_desc = [None] * _NTASK
    for i in range(_LOOK):
        g_desc[i] = fire_gather(i)
    for i in range(_NTASK):
        j = i + _LOOK
        if j < _NTASK:
            if j >= _NBUF:
                s_desc[j - _NBUF].wait()
            g_desc[j] = fire_gather(j)
        _, _, out, obase = tasks[i]
        g_desc[i].wait()
        s_desc[i] = pltpu.async_copy(
            rows_v.at[i % _NBUF], out.at[pl.ds(obase, _CHUNK)], ssem[i % _NBUF])
    for i in range(_NTASK - _NBUF, _NTASK):
        s_desc[i].wait()


def kernel(x, emb_e, emb_r):
    h = x[:, 0].reshape(_NROWS, _CHUNK)
    r = x[:, 1].reshape(_NROWS, _CHUNK)
    t = x[:, 2].reshape(_NROWS, _CHUNK)
    return _lookup(h, r, t, emb_e, emb_r)

# --- scband reference (transcript-rebuilt; emitter-appended) ---
"""Pipeline reference for scband-lookup-embedding-21088289423876 (READ-ONLY COPY).

The authoritative reference and input builder live on the scoring server;
editing this copy changes nothing except your own understanding.
"""

import jax, jax.numpy as jnp
import numpy as np

E_VOCAB = 100000
R_VOCAB = 1000
EMB = 128
BS = 16384


def setup_inputs(seed: int = 0) -> dict:
    key = jax.random.key(seed)
    k1, k2, k3, k4, k5 = jax.random.split(key, 5)
    h = jax.random.randint(k1, (BS,), 0, E_VOCAB, dtype=jnp.int32)
    r = jax.random.randint(k2, (BS,), 0, R_VOCAB, dtype=jnp.int32)
    t = jax.random.randint(k3, (BS,), 0, E_VOCAB, dtype=jnp.int32)
    x = jnp.stack([h, r, t], axis=1)
    # xavier_uniform init bounds
    be = float(np.sqrt(6.0 / (E_VOCAB + EMB)))
    br = float(np.sqrt(6.0 / (R_VOCAB + EMB)))
    emb_e = jax.random.uniform(k4, (E_VOCAB, EMB), minval=-be, maxval=be, dtype=jnp.float32)
    emb_r = jax.random.uniform(k5, (R_VOCAB, EMB), minval=-br, maxval=br, dtype=jnp.float32)
    return {"x": x, "emb_e": emb_e, "emb_r": emb_r}


def reference(x, emb_e, emb_r):
    h, r, t = x[:, 0], x[:, 1], x[:, 2]
    h_emb = jnp.take(emb_e, h, axis=0)
    r_emb = jnp.take(emb_r, r, axis=0)
    t_emb = jnp.take(emb_e, t, axis=0)
    return (h_emb, r_emb, t_emb)

if __name__ == "__main__":
    import jax
    _d = setup_inputs()
    print(jax.jit(kernel)(*tuple(_d.values())))

</pallas_src>

<mosaic_0001>
#map = affine_map<(d0, d1) -> (0, 0)>
module attributes {stable_mosaic.version = 14 : i64} {
  func.func @_lookup(%arg0: i32, %arg1: i32, %arg2: memref<128x128xi32, #tpu.memory_space<hbm>>, %arg3: memref<128x128xi32, #tpu.memory_space<hbm>>, %arg4: memref<128x128xi32, #tpu.memory_space<hbm>>, %arg5: memref<100000x128xf32, #tpu.memory_space<hbm>>, %arg6: memref<1000x128xf32, #tpu.memory_space<hbm>>, %arg7: memref<16384x128xf32, #tpu.memory_space<hbm>>, %arg8: memref<16384x128xf32, #tpu.memory_space<hbm>>, %arg9: memref<16384x128xf32, #tpu.memory_space<hbm>>, %arg10: memref<12x128xi32, #tpu.memory_space<vmem>>, %arg11: memref<7x128x128xf32, #tpu.memory_space<vmem>>, %arg12: memref<1000x128xf32, #tpu.memory_space<vmem_shared>>, %arg13: memref<!tpu.dma_semaphore, #tpu.memory_space<semaphore_mem>>, %arg14: memref<!tpu.dma_semaphore, #tpu.memory_space<semaphore_mem>>, %arg15: memref<!tpu.dma_semaphore, #tpu.memory_space<semaphore_mem>>, %arg16: memref<!tpu.dma_semaphore, #tpu.memory_space<semaphore_mem>>, %arg17: memref<!tpu.dma_semaphore, #tpu.memory_space<semaphore_mem>>, %arg18: memref<!tpu.dma_semaphore, #tpu.memory_space<semaphore_mem>>, %arg19: memref<!tpu.dma_semaphore, #tpu.memory_space<semaphore_mem>>, %arg20: memref<!tpu.dma_semaphore, #tpu.memory_space<semaphore_mem>>, %arg21: memref<!tpu.dma_semaphore, #tpu.memory_space<semaphore_mem>>, %arg22: memref<!tpu.dma_semaphore, #tpu.memory_space<semaphore_mem>>, %arg23: memref<!tpu.dma_semaphore, #tpu.memory_space<semaphore_mem>>, %arg24: memref<!tpu.dma_semaphore, #tpu.memory_space<semaphore_mem>>, %arg25: memref<!tpu.dma_semaphore, #tpu.memory_space<semaphore_mem>>, %arg26: memref<!tpu.dma_semaphore, #tpu.memory_space<semaphore_mem>>) attributes {dimension_semantics = [#tpu.dimension_semantics<core_parallel>, #tpu.dimension_semantics<subcore_parallel>], iteration_bounds = array<i64: 2, 16>, scalar_prefetch = 0 : i64, scratch_operands = 17 : i64, tpu.core_type = #tpu.core_type<sc_vector_subcore>, window_params = [{transform_indices = #map}, {transform_indices = #map}, {transform_indices = #map}, {transform_indices = #map}, {transform_indices = #map}, {transform_indices = #map}, {transform_indices = #map}, {transform_indices = #map}]} {
    %mul3A = arith.constant 2 : i32
    %mul3A_0 = arith.muli %arg1, %mul3A : i32
    %add3A = arith.addi %mul3A_0, %arg0 : i32
    %mul3A_1 = arith.constant 4 : i32
    %mul3A_2 = arith.muli %add3A, %mul3A_1 : i32
    %eq3A = arith.constant 0 : i32
    %eq3A_3 = arith.cmpi eq, %arg1, %eq3A : i32
    %convert_element_type3A = arith.extui %eq3A_3 : i1 to i32
    %cond3A = arith.constant 0 : i32
    %cond3A_4 = arith.cmpi ne, %convert_element_type3A, %cond3A : i32
    scf.if %cond3A_4 {
      "tpu.region"() ({
        %run_scoped3A = tpu.sem_alloc : memref<!tpu.dma_semaphore, #tpu.memory_space<semaphore_mem>>
        tpu.enqueue_dma source(%arg6 : memref<1000x128xf32, #tpu.memory_space<hbm>>) target(%arg12 : memref<1000x128xf32, #tpu.memory_space<vmem_shared>>) target_semaphore(%run_scoped3A : memref<!tpu.dma_semaphore, #tpu.memory_space<semaphore_mem>>)
        tpu.wait_dma2 semaphore(%run_scoped3A : memref<!tpu.dma_semaphore, #tpu.memory_space<semaphore_mem>>) src(%arg6 : memref<1000x128xf32, #tpu.memory_space<hbm>>) dst(%arg12 : memref<1000x128xf32, #tpu.memory_space<vmem_shared>>)
        tpu.yield
      }) : () -> ()
    } else {
    }
    "tpu.region"() ({
      %run_scoped3A = tpu.sem_alloc : memref<!tpu.dma_semaphore, #tpu.memory_space<semaphore_mem>>
      %dma_start3A_651 = arith.constant 0 : i32
      %dma_start3A_652 = arith.constant 0 : i32
      %dma_start3A_653 = tpu.memref_slice %arg10[%dma_start3A_651, %dma_start3A_652] : memref<12x128xi32, #tpu.memory_space<vmem>> -> memref<4x128xi32, #tpu.memory_space<vmem>>
      %dma_start3A_654 = arith.constant 0 : i32
      %dma_start3A_655 = tpu.memref_slice %arg2[%mul3A_2, %dma_start3A_654] : memref<128x128xi32, #tpu.memory_space<hbm>> -> memref<4x128xi32, #tpu.memory_space<hbm>>
      %dma_start3A_656 = arith.constant 0 : i32
      %dma_start3A_657 = arith.constant 0 : i32
      %dma_start3A_658 = tpu.memref_slice %arg10[%dma_start3A_656, %dma_start3A_657] : memref<12x128xi32, #tpu.memory_space<vmem>> -> memref<4x128xi32, #tpu.memory_space<vmem>>
      %dma_start3A_659 = arith.constant 0 : i32
      %dma_start3A_660 = tpu.memref_slice %arg2[%mul3A_2, %dma_start3A_659] : memref<128x128xi32, #tpu.memory_space<hbm>> -> memref<4x128xi32, #tpu.memory_space<hbm>>
      tpu.enqueue_dma source(%dma_start3A_660 : memref<4x128xi32, #tpu.memory_space<hbm>>) target(%dma_start3A_658 : memref<4x128xi32, #tpu.memory_space<vmem>>) target_semaphore(%run_scoped3A : memref<!tpu.dma_semaphore, #tpu.memory_space<semaphore_mem>>)
      %dma_wait3A_661 = arith.constant 0 : i32
      %dma_wait3A_662 = arith.constant 0 : i32
      %dma_wait3A_663 = tpu.memref_slice %arg10[%dma_wait3A_661, %dma_wait3A_662] : memref<12x128xi32, #tpu.memory_space<vmem>> -> memref<4x128xi32, #tpu.memory_space<vmem>>
      %dma_wait3A_664 = arith.constant 0 : i32
      %dma_wait3A_665 = tpu.memref_slice %arg2[%mul3A_2, %dma_wait3A_664] : memref<128x128xi32, #tpu.memory_space<hbm>> -> memref<4x128xi32, #tpu.memory_space<hbm>>
      %dma_wait3A_666 = arith.constant 0 : i32
      %dma_wait3A_667 = arith.constant 0 : i32
      %dma_wait3A_668 = tpu.memref_slice %arg10[%dma_wait3A_666, %dma_wait3A_667] : memref<12x128xi32, #tpu.memory_space<vmem>> -> memref<4x128xi32, #tpu.memory_space<vmem>>
      %dma_wait3A_669 = arith.constant 0 : i32
      %dma_wait3A_670 = tpu.memref_slice %arg2[%mul3A_2, %dma_wait3A_669] : memref<128x128xi32, #tpu.memory_space<hbm>> -> memref<4x128xi32, #tpu.memory_space<hbm>>
      tpu.wait_dma2 semaphore(%run_scoped3A : memref<!tpu.dma_semaphore, #tpu.memory_space<semaphore_mem>>) src(%dma_wait3A_670 : memref<4x128xi32, #tpu.memory_space<hbm>>) dst(%dma_wait3A_668 : memref<4x128xi32, #tpu.memory_space<vmem>>)
      tpu.yield
    }) : () -> ()
    "tpu.region"() ({
      %run_scoped3A = tpu.sem_alloc : memref<!tpu.dma_semaphore, #tpu.memory_space<semaphore_mem>>
      %dma_start3A_651 = arith.constant 4 : i32
      %dma_start3A_652 = arith.constant 0 : i32
      %dma_start3A_653 = tpu.memref_slice %arg10[%dma_start3A_651, %dma_start3A_652] : memref<12x128xi32, #tpu.memory_space<vmem>> -> memref<4x128xi32, #tpu.memory_space<vmem>>
      %dma_start3A_654 = arith.constant 0 : i32
      %dma_start3A_655 = tpu.memref_slice %arg3[%mul3A_2, %dma_start3A_654] : memref<128x128xi32, #tpu.memory_space<hbm>> -> memref<4x128xi32, #tpu.memory_space<hbm>>
      %dma_start3A_656 = arith.constant 4 : i32
      %dma_start3A_657 = arith.constant 0 : i32
      %dma_start3A_658 = tpu.memref_slice %arg10[%dma_start3A_656, %dma_start3A_657] : memref<12x128xi32, #tpu.memory_space<vmem>> -> memref<4x128xi32, #tpu.memory_space<vmem>>
      %dma_start3A_659 = arith.constant 0 : i32
      %dma_start3A_660 = tpu.memref_slice %arg3[%mul3A_2, %dma_start3A_659] : memref<128x128xi32, #tpu.memory_space<hbm>> -> memref<4x128xi32, #tpu.memory_space<hbm>>
      tpu.enqueue_dma source(%dma_start3A_660 : memref<4x128xi32, #tpu.memory_space<hbm>>) target(%dma_start3A_658 : memref<4x128xi32, #tpu.memory_space<vmem>>) target_semaphore(%run_scoped3A : memref<!tpu.dma_semaphore, #tpu.memory_space<semaphore_mem>>)
      %dma_wait3A_661 = arith.constant 4 : i32
      %dma_wait3A_662 = arith.constant 0 : i32
      %dma_wait3A_663 = tpu.memref_slice %arg10[%dma_wait3A_661, %dma_wait3A_662] : memref<12x128xi32, #tpu.memory_space<vmem>> -> memref<4x128xi32, #tpu.memory_space<vmem>>
      %dma_wait3A_664 = arith.constant 0 : i32
      %dma_wait3A_665 = tpu.memref_slice %arg3[%mul3A_2, %dma_wait3A_664] : memref<128x128xi32, #tpu.memory_space<hbm>> -> memref<4x128xi32, #tpu.memory_space<hbm>>
      %dma_wait3A_666 = arith.constant 4 : i32
      %dma_wait3A_667 = arith.constant 0 : i32
      %dma_wait3A_668 = tpu.memref_slice %arg10[%dma_wait3A_666, %dma_wait3A_667] : memref<12x128xi32, #tpu.memory_space<vmem>> -> memref<4x128xi32, #tpu.memory_space<vmem>>
      %dma_wait3A_669 = arith.constant 0 : i32
      %dma_wait3A_670 = tpu.memref_slice %arg3[%mul3A_2, %dma_wait3A_669] : memref<128x128xi32, #tpu.memory_space<hbm>> -> memref<4x128xi32, #tpu.memory_space<hbm>>
      tpu.wait_dma2 semaphore(%run_scoped3A : memref<!tpu.dma_semaphore, #tpu.memory_space<semaphore_mem>>) src(%dma_wait3A_670 : memref<4x128xi32, #tpu.memory_space<hbm>>) dst(%dma_wait3A_668 : memref<4x128xi32, #tpu.memory_space<vmem>>)
      tpu.yield
    }) : () -> ()
    "tpu.region"() ({
      %run_scoped3A = tpu.sem_alloc : memref<!tpu.dma_semaphore, #tpu.memory_space<semaphore_mem>>
      %dma_start3A_651 = arith.constant 8 : i32
      %dma_start3A_652 = arith.constant 0 : i32
      %dma_start3A_653 = tpu.memref_slice %arg10[%dma_start3A_651, %dma_start3A_652] : memref<12x128xi32, #tpu.memory_space<vmem>> -> memref<4x128xi32, #tpu.memory_space<vmem>>
      %dma_start3A_654 = arith.constant 0 : i32
      %dma_start3A_655 = tpu.memref_slice %arg4[%mul3A_2, %dma_start3A_654] : memref<128x128xi32, #tpu.memory_space<hbm>> -> memref<4x128xi32, #tpu.memory_space<hbm>>
      %dma_start3A_656 = arith.constant 8 : i32
      %dma_start3A_657 = arith.constant 0 : i32
      %dma_start3A_658 = tpu.memref_slice %arg10[%dma_start3A_656, %dma_start3A_657] : memref<12x128xi32, #tpu.memory_space<vmem>> -> memref<4x128xi32, #tpu.memory_space<vmem>>
      %dma_start3A_659 = arith.constant 0 : i32
      %dma_start3A_660 = tpu.memref_slice %arg4[%mul3A_2, %dma_start3A_659] : memref<128x128xi32, #tpu.memory_space<hbm>> -> memref<4x128xi32, #tpu.memory_space<hbm>>
      tpu.enqueue_dma source(%dma_start3A_660 : memref<4x128xi32, #tpu.memory_space<hbm>>) target(%dma_start3A_658 : memref<4x128xi32, #tpu.memory_space<vmem>>) target_semaphore(%run_scoped3A : memref<!tpu.dma_semaphore, #tpu.memory_space<semaphore_mem>>)
      %dma_wait3A_661 = arith.constant 8 : i32
      %dma_wait3A_662 = arith.constant 0 : i32
      %dma_wait3A_663 = tpu.memref_slice %arg10[%dma_wait3A_661, %dma_wait3A_662] : memref<12x128xi32, #tpu.memory_space<vmem>> -> memref<4x128xi32, #tpu.memory_space<vmem>>
      %dma_wait3A_664 = arith.constant 0 : i32
      %dma_wait3A_665 = tpu.memref_slice %arg4[%mul3A_2, %dma_wait3A_664] : memref<128x128xi32, #tpu.memory_space<hbm>> -> memref<4x128xi32, #tpu.memory_space<hbm>>
      %dma_wait3A_666 = arith.constant 8 : i32
      %dma_wait3A_667 = arith.constant 0 : i32
      %dma_wait3A_668 = tpu.memref_slice %arg10[%dma_wait3A_666, %dma_wait3A_667] : memref<12x128xi32, #tpu.memory_space<vmem>> -> memref<4x128xi32, #tpu.memory_space<vmem>>
      %dma_wait3A_669 = arith.constant 0 : i32
      %dma_wait3A_670 = tpu.memref_slice %arg4[%mul3A_2, %dma_wait3A_669] : memref<128x128xi32, #tpu.memory_space<hbm>> -> memref<4x128xi32, #tpu.memory_space<hbm>>
      tpu.wait_dma2 semaphore(%run_scoped3A : memref<!tpu.dma_semaphore, #tpu.memory_space<semaphore_mem>>) src(%dma_wait3A_670 : memref<4x128xi32, #tpu.memory_space<hbm>>) dst(%dma_wait3A_668 : memref<4x128xi32, #tpu.memory_space<vmem>>)
      tpu.yield
    }) : () -> ()
    %barrier3A = arith.constant 0 : index
    tpu.barrier barrier_id(%barrier3A)
    %add3A_5 = arith.constant 0 : i32
    %add3A_6 = arith.addi %mul3A_2, %add3A_5 : i32
    %mul3A_7 = arith.constant 128 : i32
    %mul3A_8 = arith.muli %add3A_6, %mul3A_7 : i32
    %add3A_9 = arith.constant 0 : i32
    %add3A_10 = arith.addi %mul3A_2, %add3A_9 : i32
    %mul3A_11 = arith.constant 128 : i32
    %mul3A_12 = arith.muli %add3A_10, %mul3A_11 : i32
    %add3A_13 = arith.constant 0 : i32
    %add3A_14 = arith.addi %mul3A_2, %add3A_13 : i32
    %mul3A_15 = arith.constant 128 : i32
    %mul3A_16 = arith.muli %add3A_14, %mul3A_15 : i32
    %add3A_17 = arith.constant 1 : i32
    %add3A_18 = arith.addi %mul3A_2, %add3A_17 : i32
    %mul3A_19 = arith.constant 128 : i32
    %mul3A_20 = arith.muli %add3A_18, %mul3A_19 : i32
    %add3A_21 = arith.constant 1 : i32
    %add3A_22 = arith.addi %mul3A_2, %add3A_21 : i32
    %mul3A_23 = arith.constant 128 : i32
    %mul3A_24 = arith.muli %add3A_22, %mul3A_23 : i32
    %add3A_25 = arith.constant 1 : i32
    %add3A_26 = arith.addi %mul3A_2, %add3A_25 : i32
    %mul3A_27 = arith.constant 128 : i32
    %mul3A_28 = arith.muli %add3A_26, %mul3A_27 : i32
    %add3A_29 = arith.constant 2 : i32
    %add3A_30 = arith.addi %mul3A_2, %add3A_29 : i32
    %mul3A_31 = arith.constant 128 : i32
    %mul3A_32 = arith.muli %add3A_30, %mul3A_31 : i32
    %add3A_33 = arith.constant 2 : i32
    %add3A_34 = arith.addi %mul3A_2, %add3A_33 : i32
    %mul3A_35 = arith.constant 128 : i32
    %mul3A_36 = arith.muli %add3A_34, %mul3A_35 : i32
    %add3A_37 = arith.constant 2 : i32
    %add3A_38 = arith.addi %mul3A_2, %add3A_37 : i32
    %mul3A_39 = arith.constant 128 : i32
    %mul3A_40 = arith.muli %add3A_38, %mul3A_39 : i32
    %add3A_41 = arith.constant 3 : i32
    %add3A_42 = arith.addi %mul3A_2, %add3A_41 : i32
    %mul3A_43 = arith.constant 128 : i32
    %mul3A_44 = arith.muli %add3A_42, %mul3A_43 : i32
    %add3A_45 = arith.constant 3 : i32
    %add3A_46 = arith.addi %mul3A_2, %add3A_45 : i32
    %mul3A_47 = arith.constant 128 : i32
    %mul3A_48 = arith.muli %add3A_46, %mul3A_47 : i32
    %add3A_49 = arith.constant 3 : i32
    %add3A_50 = arith.addi %mul3A_2, %add3A_49 : i32
    %mul3A_51 = arith.constant 128 : i32
    %mul3A_52 = arith.muli %add3A_50, %mul3A_51 : i32
    %dma_start3A = arith.constant 0 : i32
    %dma_start3A_53 = arith.constant 0 : i32
    %dma_start3A_54 = arith.constant 0 : i32
    %dma_start3A_55 = arith.constant 0 : i32
    %dma_start3A_56 = tpu.memref_slice %arg11[%dma_start3A_53, %dma_start3A_54, %dma_start3A_55] : memref<7x128x128xf32, #tpu.memory_space<vmem>> -> memref<1x128x128xf32, #tpu.memory_space<vmem>>
    %dma_start3A_57 = tpu.memref_squeeze %dma_start3A_56 : memref<1x128x128xf32, #tpu.memory_space<vmem>> -> memref<128x128xf32, #tpu.memory_space<vmem>>
    %dma_start3A_58 = arith.constant 0 : i32
    %dma_start3A_59 = tpu.memref_slice %arg10[%dma_start3A, %dma_start3A_58] : memref<12x128xi32, #tpu.memory_space<vmem>> -> memref<1x128xi32, #tpu.memory_space<vmem>>
    %dma_start3A_60 = tpu.memref_squeeze %dma_start3A_59 : memref<1x128xi32, #tpu.memory_space<vmem>> -> memref<128xi32, #tpu.memory_space<vmem>>
    %dma_start3A_61 = arith.constant 0 : i32
    %dma_start3A_62 = arith.constant 0 : i32
    %dma_start3A_63 = tpu.memref_slice %arg5[%dma_start3A_61, %dma_start3A_62] : memref<100000x128xf32, #tpu.memory_space<hbm>> -> memref<100000x128xf32, #tpu.memory_space<hbm>>
    tpu.enqueue_indirect_dma source(%dma_start3A_63 : memref<100000x128xf32, #tpu.memory_space<hbm>>) target(%dma_start3A_57 : memref<128x128xf32, #tpu.memory_space<vmem>>) offsets(%dma_start3A_60 : memref<128xi32, #tpu.memory_space<vmem>>) semaphore(%arg13 : memref<!tpu.dma_semaphore, #tpu.memory_space<semaphore_mem>>)
    %dma_start3A_64 = arith.constant 4 : i32
    %dma_start3A_65 = arith.constant 1 : i32
    %dma_start3A_66 = arith.constant 0 : i32
    %dma_start3A_67 = arith.constant 0 : i32
    %dma_start3A_68 = tpu.memref_slice %arg11[%dma_start3A_65, %dma_start3A_66, %dma_start3A_67] : memref<7x128x128xf32, #tpu.memory_space<vmem>> -> memref<1x128x128xf32, #tpu.memory_space<vmem>>
    %dma_start3A_69 = tpu.memref_squeeze %dma_start3A_68 : memref<1x128x128xf32, #tpu.memory_space<vmem>> -> memref<128x128xf32, #tpu.memory_space<vmem>>
    %dma_start3A_70 = arith.constant 0 : i32
    %dma_start3A_71 = tpu.memref_slice %arg10[%dma_start3A_64, %dma_start3A_70] : memref<12x128xi32, #tpu.memory_space<vmem>> -> memref<1x128xi32, #tpu.memory_space<vmem>>
    %dma_start3A_72 = tpu.memref_squeeze %dma_start3A_71 : memref<1x128xi32, #tpu.memory_space<vmem>> -> memref<128xi32, #tpu.memory_space<vmem>>
    %dma_start3A_73 = arith.constant 0 : i32
    %dma_start3A_74 = arith.constant 0 : i32
    %dma_start3A_75 = tpu.memref_slice %arg12[%dma_start3A_73, %dma_start3A_74] : memref<1000x128xf32, #tpu.memory_space<vmem_shared>> -> memref<1000x128xf32, #tpu.memory_space<vmem_shared>>
    tpu.enqueue_indirect_dma source(%dma_start3A_75 : memref<1000x128xf32, #tpu.memory_space<vmem_shared>>) target(%dma_start3A_69 : memref<128x128xf32, #tpu.memory_space<vmem>>) offsets(%dma_start3A_72 : memref<128xi32, #tpu.memory_space<vmem>>) semaphore(%arg14 : memref<!tpu.dma_semaphore, #tpu.memory_space<semaphore_mem>>)
    %dma_start3A_76 = arith.constant 8 : i32
    %dma_start3A_77 = arith.constant 2 : i32
    %dma_start3A_78 = arith.constant 0 : i32
    %dma_start3A_79 = arith.constant 0 : i32
    %dma_start3A_80 = tpu.memref_slice %arg11[%dma_start3A_77, %dma_start3A_78, %dma_start3A_79] : memref<7x128x128xf32, #tpu.memory_space<vmem>> -> memref<1x128x128xf32, #tpu.memory_space<vmem>>
    %dma_start3A_81 = tpu.memref_squeeze %dma_start3A_80 : memref<1x128x128xf32, #tpu.memory_space<vmem>> -> memref<128x128xf32, #tpu.memory_space<vmem>>
    %dma_start3A_82 = arith.constant 0 : i32
    %dma_start3A_83 = tpu.memref_slice %arg10[%dma_start3A_76, %dma_start3A_82] : memref<12x128xi32, #tpu.memory_space<vmem>> -> memref<1x128xi32, #tpu.memory_space<vmem>>
    %dma_start3A_84 = tpu.memref_squeeze %dma_start3A_83 : memref<1x128xi32, #tpu.memory_space<vmem>> -> memref<128xi32, #tpu.memory_space<vmem>>
    %dma_start3A_85 = arith.constant 0 : i32
    %dma_start3A_86 = arith.constant 0 : i32
    %dma_start3A_87 = tpu.memref_slice %arg5[%dma_start3A_85, %dma_start3A_86] : memref<100000x128xf32, #tpu.memory_space<hbm>> -> memref<100000x128xf32, #tpu.memory_space<hbm>>
    tpu.enqueue_indirect_dma source(%dma_start3A_87 : memref<100000x128xf32, #tpu.memory_space<hbm>>) target(%dma_start3A_81 : memref<128x128xf32, #tpu.memory_space<vmem>>) offsets(%dma_start3A_84 : memref<128xi32, #tpu.memory_space<vmem>>) semaphore(%arg15 : memref<!tpu.dma_semaphore, #tpu.memory_space<semaphore_mem>>)
    %dma_start3A_88 = arith.constant 1 : i32
    %dma_start3A_89 = arith.constant 3 : i32
    %dma_start3A_90 = arith.constant 0 : i32
    %dma_start3A_91 = arith.constant 0 : i32
    %dma_start3A_92 = tpu.memref_slice %arg11[%dma_start3A_89, %dma_start3A_90, %dma_start3A_91] : memref<7x128x128xf32, #tpu.memory_space<vmem>> -> memref<1x128x128xf32, #tpu.memory_space<vmem>>
    %dma_start3A_93 = tpu.memref_squeeze %dma_start3A_92 : memref<1x128x128xf32, #tpu.memory_space<vmem>> -> memref<128x128xf32, #tpu.memory_space<vmem>>
    %dma_start3A_94 = arith.constant 0 : i32
    %dma_start3A_95 = tpu.memref_slice %arg10[%dma_start3A_88, %dma_start3A_94] : memref<12x128xi32, #tpu.memory_space<vmem>> -> memref<1x128xi32, #tpu.memory_space<vmem>>
    %dma_start3A_96 = tpu.memref_squeeze %dma_start3A_95 : memref<1x128xi32, #tpu.memory_space<vmem>> -> memref<128xi32, #tpu.memory_space<vmem>>
    %dma_start3A_97 = arith.constant 0 : i32
    %dma_start3A_98 = arith.constant 0 : i32
    %dma_start3A_99 = tpu.memref_slice %arg5[%dma_start3A_97, %dma_start3A_98] : memref<100000x128xf32, #tpu.memory_space<hbm>> -> memref<100000x128xf32, #tpu.memory_space<hbm>>
    tpu.enqueue_indirect_dma source(%dma_start3A_99 : memref<100000x128xf32, #tpu.memory_space<hbm>>) target(%dma_start3A_93 : memref<128x128xf32, #tpu.memory_space<vmem>>) offsets(%dma_start3A_96 : memref<128xi32, #tpu.memory_space<vmem>>) semaphore(%arg16 : memref<!tpu.dma_semaphore, #tpu.memory_space<semaphore_mem>>)
    %dma_start3A_100 = arith.constant 5 : i32
    %dma_start3A_101 = arith.constant 4 : i32
    %dma_start3A_102 = arith.constant 0 : i32
    %dma_start3A_103 = arith.constant 0 : i32
    %dma_start3A_104 = tpu.memref_slice %arg11[%dma_start3A_101, %dma_start3A_102, %dma_start3A_103] : memref<7x128x128xf32, #tpu.memory_space<vmem>> -> memref<1x128x128xf32, #tpu.memory_space<vmem>>
    %dma_start3A_105 = tpu.memref_squeeze %dma_start3A_104 : memref<1x128x128xf32, #tpu.memory_space<vmem>> -> memref<128x128xf32, #tpu.memory_space<vmem>>
    %dma_start3A_106 = arith.constant 0 : i32
    %dma_start3A_107 = tpu.memref_slice %arg10[%dma_start3A_100, %dma_start3A_106] : memref<12x128xi32, #tpu.memory_space<vmem>> -> memref<1x128xi32, #tpu.memory_space<vmem>>
    %dma_start3A_108 = tpu.memref_squeeze %dma_start3A_107 : memref<1x128xi32, #tpu.memory_space<vmem>> -> memref<128xi32, #tpu.memory_space<vmem>>
    %dma_start3A_109 = arith.constant 0 : i32
    %dma_start3A_110 = arith.constant 0 : i32
    %dma_start3A_111 = tpu.memref_slice %arg12[%dma_start3A_109, %dma_start3A_110] : memref<1000x128xf32, #tpu.memory_space<vmem_shared>> -> memref<1000x128xf32, #tpu.memory_space<vmem_shared>>
    tpu.enqueue_indirect_dma source(%dma_start3A_111 : memref<1000x128xf32, #tpu.memory_space<vmem_shared>>) target(%dma_start3A_105 : memref<128x128xf32, #tpu.memory_space<vmem>>) offsets(%dma_start3A_108 : memref<128xi32, #tpu.memory_space<vmem>>) semaphore(%arg17 : memref<!tpu.dma_semaphore, #tpu.memory_space<semaphore_mem>>)
    %dma_wait3A = arith.constant 0 : i32
    %dma_wait3A_112 = arith.constant 0 : i32
    %dma_wait3A_113 = arith.constant 0 : i32
    %dma_wait3A_114 = arith.constant 0 : i32
    %dma_wait3A_115 = tpu.memref_slice %arg11[%dma_wait3A_112, %dma_wait3A_113, %dma_wait3A_114] : memref<7x128x128xf32, #tpu.memory_space<vmem>> -> memref<1x128x128xf32, #tpu.memory_space<vmem>>
    %dma_wait3A_116 = tpu.memref_squeeze %dma_wait3A_115 : memref<1x128x128xf32, #tpu.memory_space<vmem>> -> memref<128x128xf32, #tpu.memory_space<vmem>>
    %dma_wait3A_117 = arith.constant 0 : i32
    %dma_wait3A_118 = tpu.memref_slice %arg10[%dma_wait3A, %dma_wait3A_117] : memref<12x128xi32, #tpu.memory_space<vmem>> -> memref<1x128xi32, #tpu.memory_space<vmem>>
    %dma_wait3A_119 = tpu.memref_squeeze %dma_wait3A_118 : memref<1x128xi32, #tpu.memory_space<vmem>> -> memref<128xi32, #tpu.memory_space<vmem>>
    %dma_wait3A_120 = arith.constant 0 : i32
    %dma_wait3A_121 = arith.constant 0 : i32
    %dma_wait3A_122 = tpu.memref_slice %arg5[%dma_wait3A_120, %dma_wait3A_121] : memref<100000x128xf32, #tpu.memory_space<hbm>> -> memref<100000x128xf32, #tpu.memory_space<hbm>>
    tpu.wait_indirect_dma semaphore(%arg13 : memref<!tpu.dma_semaphore, #tpu.memory_space<semaphore_mem>>) src(%dma_wait3A_122 : memref<100000x128xf32, #tpu.memory_space<hbm>>) dst(%dma_wait3A_116 : memref<128x128xf32, #tpu.memory_space<vmem>>)
    %dma_start3A_123 = arith.constant 0 : i32
    %dma_start3A_124 = arith.constant 0 : i32
    %dma_start3A_125 = arith.constant 0 : i32
    %dma_start3A_126 = tpu.memref_slice %arg11[%dma_start3A_123, %dma_start3A_124, %dma_start3A_125] : memref<7x128x128xf32, #tpu.memory_space<vmem>> -> memref<1x128x128xf32, #tpu.memory_space<vmem>>
    %dma_start3A_127 = tpu.memref_squeeze %dma_start3A_126 : memref<1x128x128xf32, #tpu.memory_space<vmem>> -> memref<128x128xf32, #tpu.memory_space<vmem>>
    %dma_start3A_128 = arith.constant 0 : i32
    %dma_start3A_129 = tpu.memref_slice %arg7[%mul3A_8, %dma_start3A_128] : memref<16384x128xf32, #tpu.memory_space<hbm>> -> memref<128x128xf32, #tpu.memory_space<hbm>>
    %dma_start3A_130 = arith.constant 0 : i32
    %dma_start3A_131 = tpu.memref_slice %arg7[%mul3A_8, %dma_start3A_130] : memref<16384x128xf32, #tpu.memory_space<hbm>> -> memref<128x128xf32, #tpu.memory_space<hbm>>
    %dma_start3A_132 = arith.constant 0 : i32
    %dma_start3A_133 = arith.constant 0 : i32
    %dma_start3A_134 = tpu.memref_slice %arg11[%dma_start3A_123, %dma_start3A_132, %dma_start3A_133] : memref<7x128x128xf32, #tpu.memory_space<vmem>> -> memref<1x128x128xf32, #tpu.memory_space<vmem>>
    %dma_start3A_135 = tpu.memref_squeeze %dma_start3A_134 : memref<1x128x128xf32, #tpu.memory_space<vmem>> -> memref<128x128xf32, #tpu.memory_space<vmem>>
    tpu.enqueue_dma source(%dma_start3A_135 : memref<128x128xf32, #tpu.memory_space<vmem>>) target(%dma_start3A_131 : memref<128x128xf32, #tpu.memory_space<hbm>>) target_semaphore(%arg20 : memref<!tpu.dma_semaphore, #tpu.memory_space<semaphore_mem>>)
    %dma_start3A_136 = arith.constant 9 : i32
    %dma_start3A_137 = arith.constant 5 : i32
    %dma_start3A_138 = arith.constant 0 : i32
    %dma_start3A_139 = arith.constant 0 : i32
    %dma_start3A_140 = tpu.memref_slice %arg11[%dma_start3A_137, %dma_start3A_138, %dma_start3A_139] : memref<7x128x128xf32, #tpu.memory_space<vmem>> -> memref<1x128x128xf32, #tpu.memory_space<vmem>>
    %dma_start3A_141 = tpu.memref_squeeze %dma_start3A_140 : memref<1x128x128xf32, #tpu.memory_space<vmem>> -> memref<128x128xf32, #tpu.memory_space<vmem>>
    %dma_start3A_142 = arith.constant 0 : i32
    %dma_start3A_143 = tpu.memref_slice %arg10[%dma_start3A_136, %dma_start3A_142] : memref<12x128xi32, #tpu.memory_space<vmem>> -> memref<1x128xi32, #tpu.memory_space<vmem>>
    %dma_start3A_144 = tpu.memref_squeeze %dma_start3A_143 : memref<1x128xi32, #tpu.memory_space<vmem>> -> memref<128xi32, #tpu.memory_space<vmem>>
    %dma_start3A_145 = arith.constant 0 : i32
    %dma_start3A_146 = arith.constant 0 : i32
    %dma_start3A_147 = tpu.memref_slice %arg5[%dma_start3A_145, %dma_start3A_146] : memref<100000x128xf32, #tpu.memory_space<hbm>> -> memref<100000x128xf32, #tpu.memory_space<hbm>>
    tpu.enqueue_indirect_dma source(%dma_start3A_147 : memref<100000x128xf32, #tpu.memory_space<hbm>>) target(%dma_start3A_141 : memref<128x128xf32, #tpu.memory_space<vmem>>) offsets(%dma_start3A_144 : memref<128xi32, #tpu.memory_space<vmem>>) semaphore(%arg18 : memref<!tpu.dma_semaphore, #tpu.memory_space<semaphore_mem>>)
    %dma_wait3A_148 = arith.constant 4 : i32
    %dma_wait3A_149 = arith.constant 1 : i32
    %dma_wait3A_150 = arith.constant 0 : i32
    %dma_wait3A_151 = arith.constant 0 : i32
    %dma_wait3A_152 = tpu.memref_slice %arg11[%dma_wait3A_149, %dma_wait3A_150, %dma_wait3A_151] : memref<7x128x128xf32, #tpu.memory_space<vmem>> -> memref<1x128x128xf32, #tpu.memory_space<vmem>>
    %dma_wait3A_153 = tpu.memref_squeeze %dma_wait3A_152 : memref<1x128x128xf32, #tpu.memory_space<vmem>> -> memref<128x128xf32, #tpu.memory_space<vmem>>
    %dma_wait3A_154 = arith.constant 0 : i32
    %dma_wait3A_155 = tpu.memref_slice %arg10[%dma_wait3A_148, %dma_wait3A_154] : memref<12x128xi32, #tpu.memory_space<vmem>> -> memref<1x128xi32, #tpu.memory_space<vmem>>
    %dma_wait3A_156 = tpu.memref_squeeze %dma_wait3A_155 : memref<1x128xi32, #tpu.memory_space<vmem>> -> memref<128xi32, #tpu.memory_space<vmem>>
    %dma_wait3A_157 = arith.constant 0 : i32
    %dma_wait3A_158 = arith.constant 0 : i32
    %dma_wait3A_159 = tpu.memref_slice %arg12[%dma_wait3A_157, %dma_wait3A_158] : memref<1000x128xf32, #tpu.memory_space<vmem_shared>> -> memref<1000x128xf32, #tpu.memory_space<vmem_shared>>
    tpu.wait_indirect_dma semaphore(%arg14 : memref<!tpu.dma_semaphore, #tpu.memory_space<semaphore_mem>>) src(%dma_wait3A_159 : memref<1000x128xf32, #tpu.memory_space<vmem_shared>>) dst(%dma_wait3A_153 : memref<128x128xf32, #tpu.memory_space<vmem>>)
    %dma_start3A_160 = arith.constant 1 : i32
    %dma_start3A_161 = arith.constant 0 : i32
    %dma_start3A_162 = arith.constant 0 : i32
    %dma_start3A_163 = tpu.memref_slice %arg11[%dma_start3A_160, %dma_start3A_161, %dma_start3A_162] : memref<7x128x128xf32, #tpu.memory_space<vmem>> -> memref<1x128x128xf32, #tpu.memory_space<vmem>>
    %dma_start3A_164 = tpu.memref_squeeze %dma_start3A_163 : memref<1x128x128xf32, #tpu.memory_space<vmem>> -> memref<128x128xf32, #tpu.memory_space<vmem>>
    %dma_start3A_165 = arith.constant 0 : i32
    %dma_start3A_166 = tpu.memref_slice %arg8[%mul3A_12, %dma_start3A_165] : memref<16384x128xf32, #tpu.memory_space<hbm>> -> memref<128x128xf32, #tpu.memory_space<hbm>>
    %dma_start3A_167 = arith.constant 0 : i32
    %dma_start3A_168 = tpu.memref_slice %arg8[%mul3A_12, %dma_start3A_167] : memref<16384x128xf32, #tpu.memory_space<hbm>> -> memref<128x128xf32, #tpu.memory_space<hbm>>
    %dma_start3A_169 = arith.constant 0 : i32
    %dma_start3A_170 = arith.constant 0 : i32
    %dma_start3A_171 = tpu.memref_slice %arg11[%dma_start3A_160, %dma_start3A_169, %dma_start3A_170] : memref<7x128x128xf32, #tpu.memory_space<vmem>> -> memref<1x128x128xf32, #tpu.memory_space<vmem>>
    %dma_start3A_172 = tpu.memref_squeeze %dma_start3A_171 : memref<1x128x128xf32, #tpu.memory_space<vmem>> -> memref<128x128xf32, #tpu.memory_space<vmem>>
    tpu.enqueue_dma source(%dma_start3A_172 : memref<128x128xf32, #tpu.memory_space<vmem>>) target(%dma_start3A_168 : memref<128x128xf32, #tpu.memory_space<hbm>>) target_semaphore(%arg21 : memref<!tpu.dma_semaphore, #tpu.memory_space<semaphore_mem>>)
    %dma_start3A_173 = arith.constant 2 : i32
    %dma_start3A_174 = arith.constant 6 : i32
    %dma_start3A_175 = arith.constant 0 : i32
    %dma_start3A_176 = arith.constant 0 : i32
    %dma_start3A_177 = tpu.memref_slice %arg11[%dma_start3A_174, %dma_start3A_175, %dma_start3A_176] : memref<7x128x128xf32, #tpu.memory_space<vmem>> -> memref<1x128x128xf32, #tpu.memory_space<vmem>>
    %dma_start3A_178 = tpu.memref_squeeze %dma_start3A_177 : memref<1x128x128xf32, #tpu.memory_space<vmem>> -> memref<128x128xf32, #tpu.memory_space<vmem>>
    %dma_start3A_179 = arith.constant 0 : i32
    %dma_start3A_180 = tpu.memref_slice %arg10[%dma_start3A_173, %dma_start3A_179] : memref<12x128xi32, #tpu.memory_space<vmem>> -> memref<1x128xi32, #tpu.memory_space<vmem>>
    %dma_start3A_181 = tpu.memref_squeeze %dma_start3A_180 : memref<1x128xi32, #tpu.memory_space<vmem>> -> memref<128xi32, #tpu.memory_space<vmem>>
    %dma_start3A_182 = arith.constant 0 : i32
    %dma_start3A_183 = arith.constant 0 : i32
    %dma_start3A_184 = tpu.memref_slice %arg5[%dma_start3A_182, %dma_start3A_183] : memref<100000x128xf32, #tpu.memory_space<hbm>> -> memref<100000x128xf32, #tpu.memory_space<hbm>>
    tpu.enqueue_indirect_dma source(%dma_start3A_184 : memref<100000x128xf32, #tpu.memory_space<hbm>>) target(%dma_start3A_178 : memref<128x128xf32, #tpu.memory_space<vmem>>) offsets(%dma_start3A_181 : memref<128xi32, #tpu.memory_space<vmem>>) semaphore(%arg19 : memref<!tpu.dma_semaphore, #tpu.memory_space<semaphore_mem>>)
    %dma_wait3A_185 = arith.constant 8 : i32
    %dma_wait3A_186 = arith.constant 2 : i32
    %dma_wait3A_187 = arith.constant 0 : i32
    %dma_wait3A_188 = arith.constant 0 : i32
    %dma_wait3A_189 = tpu.memref_slice %arg11[%dma_wait3A_186, %dma_wait3A_187, %dma_wait3A_188] : memref<7x128x128xf32, #tpu.memory_space<vmem>> -> memref<1x128x128xf32, #tpu.memory_space<vmem>>
    %dma_wait3A_190 = tpu.memref_squeeze %dma_wait3A_189 : memref<1x128x128xf32, #tpu.memory_space<vmem>> -> memref<128x128xf32, #tpu.memory_space<vmem>>
    %dma_wait3A_191 = arith.constant 0 : i32
    %dma_wait3A_192 = tpu.memref_slice %arg10[%dma_wait3A_185, %dma_wait3A_191] : memref<12x128xi32, #tpu.memory_space<vmem>> -> memref<1x128xi32, #tpu.memory_space<vmem>>
    %dma_wait3A_193 = tpu.memref_squeeze %dma_wait3A_192 : memref<1x128xi32, #tpu.memory_space<vmem>> -> memref<128xi32, #tpu.memory_space<vmem>>
    %dma_wait3A_194 = arith.constant 0 : i32
    %dma_wait3A_195 = arith.constant 0 : i32
    %dma_wait3A_196 = tpu.memref_slice %arg5[%dma_wait3A_194, %dma_wait3A_195] : memref<100000x128xf32, #tpu.memory_space<hbm>> -> memref<100000x128xf32, #tpu.memory_space<hbm>>
    tpu.wait_indirect_dma semaphore(%arg15 : memref<!tpu.dma_semaphore, #tpu.memory_space<semaphore_mem>>) src(%dma_wait3A_196 : memref<100000x128xf32, #tpu.memory_space<hbm>>) dst(%dma_wait3A_190 : memref<128x128xf32, #tpu.memory_space<vmem>>)
    %dma_start3A_197 = arith.constant 2 : i32
    %dma_start3A_198 = arith.constant 0 : i32
    %dma_start3A_199 = arith.constant 0 : i32
    %dma_start3A_200 = tpu.memref_slice %arg11[%dma_start3A_197, %dma_start3A_198, %dma_start3A_199] : memref<7x128x128xf32, #tpu.memory_space<vmem>> -> memref<1x128x128xf32, #tpu.memory_space<vmem>>
    %dma_start3A_201 = tpu.memref_squeeze %dma_start3A_200 : memref<1x128x128xf32, #tpu.memory_space<vmem>> -> memref<128x128xf32, #tpu.memory_space<vmem>>
    %dma_start3A_202 = arith.constant 0 : i32
    %dma_start3A_203 = tpu.memref_slice %arg9[%mul3A_16, %dma_start3A_202] : memref<16384x128xf32, #tpu.memory_space<hbm>> -> memref<128x128xf32, #tpu.memory_space<hbm>>
    %dma_start3A_204 = arith.constant 0 : i32
    %dma_start3A_205 = tpu.memref_slice %arg9[%mul3A_16, %dma_start3A_204] : memref<16384x128xf32, #tpu.memory_space<hbm>> -> memref<128x128xf32, #tpu.memory_space<hbm>>
    %dma_start3A_206 = arith.constant 0 : i32
    %dma_start3A_207 = arith.constant 0 : i32
    %dma_start3A_208 = tpu.memref_slice %arg11[%dma_start3A_197, %dma_start3A_206, %dma_start3A_207] : memref<7x128x128xf32, #tpu.memory_space<vmem>> -> memref<1x128x128xf32, #tpu.memory_space<vmem>>
    %dma_start3A_209 = tpu.memref_squeeze %dma_start3A_208 : memref<1x128x128xf32, #tpu.memory_space<vmem>> -> memref<128x128xf32, #tpu.memory_space<vmem>>
    tpu.enqueue_dma source(%dma_start3A_209 : memref<128x128xf32, #tpu.memory_space<vmem>>) target(%dma_start3A_205 : memref<128x128xf32, #tpu.memory_space<hbm>>) target_semaphore(%arg22 : memref<!tpu.dma_semaphore, #tpu.memory_space<semaphore_mem>>)
    %dma_wait3A_210 = arith.constant 0 : i32
    %dma_wait3A_211 = arith.constant 0 : i32
    %dma_wait3A_212 = arith.constant 0 : i32
    %dma_wait3A_213 = tpu.memref_slice %arg11[%dma_wait3A_210, %dma_wait3A_211, %dma_wait3A_212] : memref<7x128x128xf32, #tpu.memory_space<vmem>> -> memref<1x128x128xf32, #tpu.memory_space<vmem>>
    %dma_wait3A_214 = tpu.memref_squeeze %dma_wait3A_213 : memref<1x128x128xf32, #tpu.memory_space<vmem>> -> memref<128x128xf32, #tpu.memory_space<vmem>>
    %dma_wait3A_215 = arith.constant 0 : i32
    %dma_wait3A_216 = tpu.memref_slice %arg7[%mul3A_8, %dma_wait3A_215] : memref<16384x128xf32, #tpu.memory_space<hbm>> -> memref<128x128xf32, #tpu.memory_space<hbm>>
    %dma_wait3A_217 = arith.constant 0 : i32
    %dma_wait3A_218 = tpu.memref_slice %arg7[%mul3A_8, %dma_wait3A_217] : memref<16384x128xf32, #tpu.memory_space<hbm>> -> memref<128x128xf32, #tpu.memory_space<hbm>>
    %dma_wait3A_219 = arith.constant 0 : i32
    %dma_wait3A_220 = arith.constant 0 : i32
    %dma_wait3A_221 = tpu.memref_slice %arg11[%dma_wait3A_210, %dma_wait3A_219, %dma_wait3A_220] : memref<7x128x128xf32, #tpu.memory_space<vmem>> -> memref<1x128x128xf32, #tpu.memory_space<vmem>>
    %dma_wait3A_222 = tpu.memref_squeeze %dma_wait3A_221 : memref<1x128x128xf32, #tpu.memory_space<vmem>> -> memref<128x128xf32, #tpu.memory_space<vmem>>
    tpu.wait_dma2 semaphore(%arg20 : memref<!tpu.dma_semaphore, #tpu.memory_space<semaphore_mem>>) src(%dma_wait3A_222 : memref<128x128xf32, #tpu.memory_space<vmem>>) dst(%dma_wait3A_218 : memref<128x128xf32, #tpu.memory_space<hbm>>)
    %dma_start3A_223 = arith.constant 6 : i32
    %dma_start3A_224 = arith.constant 0 : i32
    %dma_start3A_225 = arith.constant 0 : i32
    %dma_start3A_226 = arith.constant 0 : i32
    %dma_start3A_227 = tpu.memref_slice %arg11[%dma_start3A_224, %dma_start3A_225, %dma_start3A_226] : memref<7x128x128xf32, #tpu.memory_space<vmem>> -> memref<1x128x128xf32, #tpu.memory_space<vmem>>
    %dma_start3A_228 = tpu.memref_squeeze %dma_start3A_227 : memref<1x128x128xf32, #tpu.memory_space<vmem>> -> memref<128x128xf32, #tpu.memory_space<vmem>>
    %dma_start3A_229 = arith.constant 0 : i32
    %dma_start3A_230 = tpu.memref_slice %arg10[%dma_start3A_223, %dma_start3A_229] : memref<12x128xi32, #tpu.memory_space<vmem>> -> memref<1x128xi32, #tpu.memory_space<vmem>>
    %dma_start3A_231 = tpu.memref_squeeze %dma_start3A_230 : memref<1x128xi32, #tpu.memory_space<vmem>> -> memref<128xi32, #tpu.memory_space<vmem>>
    %dma_start3A_232 = arith.constant 0 : i32
    %dma_start3A_233 = arith.constant 0 : i32
    %dma_start3A_234 = tpu.memref_slice %arg12[%dma_start3A_232, %dma_start3A_233] : memref<1000x128xf32, #tpu.memory_space<vmem_shared>> -> memref<1000x128xf32, #tpu.memory_space<vmem_shared>>
    tpu.enqueue_indirect_dma source(%dma_start3A_234 : memref<1000x128xf32, #tpu.memory_space<vmem_shared>>) target(%dma_start3A_228 : memref<128x128xf32, #tpu.memory_space<vmem>>) offsets(%dma_start3A_231 : memref<128xi32, #tpu.memory_space<vmem>>) semaphore(%arg13 : memref<!tpu.dma_semaphore, #tpu.memory_space<semaphore_mem>>)
    %dma_wait3A_235 = arith.constant 1 : i32
    %dma_wait3A_236 = arith.constant 3 : i32
    %dma_wait3A_237 = arith.constant 0 : i32
    %dma_wait3A_238 = arith.constant 0 : i32
    %dma_wait3A_239 = tpu.memref_slice %arg11[%dma_wait3A_236, %dma_wait3A_237, %dma_wait3A_238] : memref<7x128x128xf32, #tpu.memory_space<vmem>> -> memref<1x128x128xf32, #tpu.memory_space<vmem>>
    %dma_wait3A_240 = tpu.memref_squeeze %dma_wait3A_239 : memref<1x128x128xf32, #tpu.memory_space<vmem>> -> memref<128x128xf32, #tpu.memory_space<vmem>>
    %dma_wait3A_241 = arith.constant 0 : i32
    %dma_wait3A_242 = tpu.memref_slice %arg10[%dma_wait3A_235, %dma_wait3A_241] : memref<12x128xi32, #tpu.memory_space<vmem>> -> memref<1x128xi32, #tpu.memory_space<vmem>>
    %dma_wait3A_243 = tpu.memref_squeeze %dma_wait3A_242 : memref<1x128xi32, #tpu.memory_space<vmem>> -> memref<128xi32, #tpu.memory_space<vmem>>
    %dma_wait3A_244 = arith.constant 0 : i32
    %dma_wait3A_245 = arith.constant 0 : i32
    %dma_wait3A_246 = tpu.memref_slice %arg5[%dma_wait3A_244, %dma_wait3A_245] : memref<100000x128xf32, #tpu.memory_space<hbm>> -> memref<100000x128xf32, #tpu.memory_space<hbm>>
    tpu.wait_indirect_dma semaphore(%arg16 : memref<!tpu.dma_semaphore, #tpu.memory_space<semaphore_mem>>) src(%dma_wait3A_246 : memref<100000x128xf32, #tpu.memory_space<hbm>>) dst(%dma_wait3A_240 : memref<128x128xf32, #tpu.memory_space<vmem>>)
    %dma_start3A_247 = arith.constant 3 : i32
    %dma_start3A_248 = arith.constant 0 : i32
    %dma_start3A_249 = arith.constant 0 : i32
    %dma_start3A_250 = tpu.memref_slice %arg11[%dma_start3A_247, %dma_start3A_248, %dma_start3A_249] : memref<7x128x128xf32, #tpu.memory_space<vmem>> -> memref<1x128x128xf32, #tpu.memory_space<vmem>>
    %dma_start3A_251 = tpu.memref_squeeze %dma_start3A_250 : memref<1x128x128xf32, #tpu.memory_space<vmem>> -> memref<128x128xf32, #tpu.memory_space<vmem>>
    %dma_start3A_252 = arith.constant 0 : i32
    %dma_start3A_253 = tpu.memref_slice %arg7[%mul3A_20, %dma_start3A_252] : memref<16384x128xf32, #tpu.memory_space<hbm>> -> memref<128x128xf32, #tpu.memory_space<hbm>>
    %dma_start3A_254 = arith.constant 0 : i32
    %dma_start3A_255 = tpu.memref_slice %arg7[%mul3A_20, %dma_start3A_254] : memref<16384x128xf32, #tpu.memory_space<hbm>> -> memref<128x128xf32, #tpu.memory_space<hbm>>
    %dma_start3A_256 = arith.constant 0 : i32
    %dma_start3A_257 = arith.constant 0 : i32
    %dma_start3A_258 = tpu.memref_slice %arg11[%dma_start3A_247, %dma_start3A_256, %dma_start3A_257] : memref<7x128x128xf32, #tpu.memory_space<vmem>> -> memref<1x128x128xf32, #tpu.memory_space<vmem>>
    %dma_start3A_259 = tpu.memref_squeeze %dma_start3A_258 : memref<1x128x128xf32, #tpu.memory_space<vmem>> -> memref<128x128xf32, #tpu.memory_space<vmem>>
    tpu.enqueue_dma source(%dma_start3A_259 : memref<128x128xf32, #tpu.memory_space<vmem>>) target(%dma_start3A_255 : memref<128x128xf32, #tpu.memory_space<hbm>>) target_semaphore(%arg23 : memref<!tpu.dma_semaphore, #tpu.memory_space<semaphore_mem>>)
    %dma_wait3A_260 = arith.constant 1 : i32
    %dma_wait3A_261 = arith.constant 0 : i32
    %dma_wait3A_262 = arith.constant 0 : i32
    %dma_wait3A_263 = tpu.memref_slice %arg11[%dma_wait3A_260, %dma_wait3A_261, %dma_wait3A_262] : memref<7x128x128xf32, #tpu.memory_space<vmem>> -> memref<1x128x128xf32, #tpu.memory_space<vmem>>
    %dma_wait3A_264 = tpu.memref_squeeze %dma_wait3A_263 : memref<1x128x128xf32, #tpu.memory_space<vmem>> -> memref<128x128xf32, #tpu.memory_space<vmem>>
    %dma_wait3A_265 = arith.constant 0 : i32
    %dma_wait3A_266 = tpu.memref_slice %arg8[%mul3A_12, %dma_wait3A_265] : memref<16384x128xf32, #tpu.memory_space<hbm>> -> memref<128x128xf32, #tpu.memory_space<hbm>>
    %dma_wait3A_267 = arith.constant 0 : i32
    %dma_wait3A_268 = tpu.memref_slice %arg8[%mul3A_12, %dma_wait3A_267] : memref<16384x128xf32, #tpu.memory_space<hbm>> -> memref<128x128xf32, #tpu.memory_space<hbm>>
    %dma_wait3A_269 = arith.constant 0 : i32
    %dma_wait3A_270 = arith.constant 0 : i32
    %dma_wait3A_271 = tpu.memref_slice %arg11[%dma_wait3A_260, %dma_wait3A_269, %dma_wait3A_270] : memref<7x128x128xf32, #tpu.memory_space<vmem>> -> memref<1x128x128xf32, #tpu.memory_space<vmem>>
    %dma_wait3A_272 = tpu.memref_squeeze %dma_wait3A_271 : memref<1x128x128xf32, #tpu.memory_space<vmem>> -> memref<128x128xf32, #tpu.memory_space<vmem>>
    tpu.wait_dma2 semaphore(%arg21 : memref<!tpu.dma_semaphore, #tpu.memory_space<semaphore_mem>>) src(%dma_wait3A_272 : memref<128x128xf32, #tpu.memory_space<vmem>>) dst(%dma_wait3A_268 : memref<128x128xf32, #tpu.memory_space<hbm>>)
    %dma_start3A_273 = arith.constant 10 : i32
    %dma_start3A_274 = arith.constant 1 : i32
    %dma_start3A_275 = arith.constant 0 : i32
    %dma_start3A_276 = arith.constant 0 : i32
    %dma_start3A_277 = tpu.memref_slice %arg11[%dma_start3A_274, %dma_start3A_275, %dma_start3A_276] : memref<7x128x128xf32, #tpu.memory_space<vmem>> -> memref<1x128x128xf32, #tpu.memory_space<vmem>>
    %dma_start3A_278 = tpu.memref_squeeze %dma_start3A_277 : memref<1x128x128xf32, #tpu.memory_space<vmem>> -> memref<128x128xf32, #tpu.memory_space<vmem>>
    %dma_start3A_279 = arith.constant 0 : i32
    %dma_start3A_280 = tpu.memref_slice %arg10[%dma_start3A_273, %dma_start3A_279] : memref<12x128xi32, #tpu.memory_space<vmem>> -> memref<1x128xi32, #tpu.memory_space<vmem>>
    %dma_start3A_281 = tpu.memref_squeeze %dma_start3A_280 : memref<1x128xi32, #tpu.memory_space<vmem>> -> memref<128xi32, #tpu.memory_space<vmem>>
    %dma_start3A_282 = arith.constant 0 : i32
    %dma_start3A_283 = arith.constant 0 : i32
    %dma_start3A_284 = tpu.memref_slice %arg5[%dma_start3A_282, %dma_start3A_283] : memref<100000x128xf32, #tpu.memory_space<hbm>> -> memref<100000x128xf32, #tpu.memory_space<hbm>>
    tpu.enqueue_indirect_dma source(%dma_start3A_284 : memref<100000x128xf32, #tpu.memory_space<hbm>>) target(%dma_start3A_278 : memref<128x128xf32, #tpu.memory_space<vmem>>) offsets(%dma_start3A_281 : memref<128xi32, #tpu.memory_space<vmem>>) semaphore(%arg14 : memref<!tpu.dma_semaphore, #tpu.memory_space<semaphore_mem>>)
    %dma_wait3A_285 = arith.constant 5 : i32
    %dma_wait3A_286 = arith.constant 4 : i32
    %dma_wait3A_287 = arith.constant 0 : i32
    %dma_wait3A_288 = arith.constant 0 : i32
    %dma_wait3A_289 = tpu.memref_slice %arg11[%dma_wait3A_286, %dma_wait3A_287, %dma_wait3A_288] : memref<7x128x128xf32, #tpu.memory_space<vmem>> -> memref<1x128x128xf32, #tpu.memory_space<vmem>>
    %dma_wait3A_290 = tpu.memref_squeeze %dma_wait3A_289 : memref<1x128x128xf32, #tpu.memory_space<vmem>> -> memref<128x128xf32, #tpu.memory_space<vmem>>
    %dma_wait3A_291 = arith.constant 0 : i32
    %dma_wait3A_292 = tpu.memref_slice %arg10[%dma_wait3A_285, %dma_wait3A_291] : memref<12x128xi32, #tpu.memory_space<vmem>> -> memref<1x128xi32, #tpu.memory_space<vmem>>
    %dma_wait3A_293 = tpu.memref_squeeze %dma_wait3A_292 : memref<1x128xi32, #tpu.memory_space<vmem>> -> memref<128xi32, #tpu.memory_space<vmem>>
    %dma_wait3A_294 = arith.constant 0 : i32
    %dma_wait3A_295 = arith.constant 0 : i32
    %dma_wait3A_296 = tpu.memref_slice %arg12[%dma_wait3A_294, %dma_wait3A_295] : memref<1000x128xf32, #tpu.memory_space<vmem_shared>> -> memref<1000x128xf32, #tpu.memory_space<vmem_shared>>
    tpu.wait_indirect_dma semaphore(%arg17 : memref<!tpu.dma_semaphore, #tpu.memory_space<semaphore_mem>>) src(%dma_wait3A_296 : memref<1000x128xf32, #tpu.memory_space<vmem_shared>>) dst(%dma_wait3A_290 : memref<128x128xf32, #tpu.memory_space<vmem>>)
    %dma_start3A_297 = arith.constant 4 : i32
    %dma_start3A_298 = arith.constant 0 : i32
    %dma_start3A_299 = arith.constant 0 : i32
    %dma_start3A_300 = tpu.memref_slice %arg11[%dma_start3A_297, %dma_start3A_298, %dma_start3A_299] : memref<7x128x128xf32, #tpu.memory_space<vmem>> -> memref<1x128x128xf32, #tpu.memory_space<vmem>>
    %dma_start3A_301 = tpu.memref_squeeze %dma_start3A_300 : memref<1x128x128xf32, #tpu.memory_space<vmem>> -> memref<128x128xf32, #tpu.memory_space<vmem>>
    %dma_start3A_302 = arith.constant 0 : i32
    %dma_start3A_303 = tpu.memref_slice %arg8[%mul3A_24, %dma_start3A_302] : memref<16384x128xf32, #tpu.memory_space<hbm>> -> memref<128x128xf32, #tpu.memory_space<hbm>>
    %dma_start3A_304 = arith.constant 0 : i32
    %dma_start3A_305 = tpu.memref_slice %arg8[%mul3A_24, %dma_start3A_304] : memref<16384x128xf32, #tpu.memory_space<hbm>> -> memref<128x128xf32, #tpu.memory_space<hbm>>
    %dma_start3A_306 = arith.constant 0 : i32
    %dma_start3A_307 = arith.constant 0 : i32
    %dma_start3A_308 = tpu.memref_slice %arg11[%dma_start3A_297, %dma_start3A_306, %dma_start3A_307] : memref<7x128x128xf32, #tpu.memory_space<vmem>> -> memref<1x128x128xf32, #tpu.memory_space<vmem>>
    %dma_start3A_309 = tpu.memref_squeeze %dma_start3A_308 : memref<1x128x128xf32, #tpu.memory_space<vmem>> -> memref<128x128xf32, #tpu.memory_space<vmem>>
    tpu.enqueue_dma source(%dma_start3A_309 : memref<128x128xf32, #tpu.memory_space<vmem>>) target(%dma_start3A_305 : memref<128x128xf32, #tpu.memory_space<hbm>>) target_semaphore(%arg24 : memref<!tpu.dma_semaphore, #tpu.memory_space<semaphore_mem>>)
    %dma_wait3A_310 = arith.constant 2 : i32
    %dma_wait3A_311 = arith.constant 0 : i32
    %dma_wait3A_312 = arith.constant 0 : i32
    %dma_wait3A_313 = tpu.memref_slice %arg11[%dma_wait3A_310, %dma_wait3A_311, %dma_wait3A_312] : memref<7x128x128xf32, #tpu.memory_space<vmem>> -> memref<1x128x128xf32, #tpu.memory_space<vmem>>
    %dma_wait3A_314 = tpu.memref_squeeze %dma_wait3A_313 : memref<1x128x128xf32, #tpu.memory_space<vmem>> -> memref<128x128xf32, #tpu.memory_space<vmem>>
    %dma_wait3A_315 = arith.constant 0 : i32
    %dma_wait3A_316 = tpu.memref_slice %arg9[%mul3A_16, %dma_wait3A_315] : memref<16384x128xf32, #tpu.memory_space<hbm>> -> memref<128x128xf32, #tpu.memory_space<hbm>>
    %dma_wait3A_317 = arith.constant 0 : i32
    %dma_wait3A_318 = tpu.memref_slice %arg9[%mul3A_16, %dma_wait3A_317] : memref<16384x128xf32, #tpu.memory_space<hbm>> -> memref<128x128xf32, #tpu.memory_space<hbm>>
    %dma_wait3A_319 = arith.constant 0 : i32
    %dma_wait3A_320 = arith.constant 0 : i32
    %dma_wait3A_321 = tpu.memref_slice %arg11[%dma_wait3A_310, %dma_wait3A_319, %dma_wait3A_320] : memref<7x128x128xf32, #tpu.memory_space<vmem>> -> memref<1x128x128xf32, #tpu.memory_space<vmem>>
    %dma_wait3A_322 = tpu.memref_squeeze %dma_wait3A_321 : memref<1x128x128xf32, #tpu.memory_space<vmem>> -> memref<128x128xf32, #tpu.memory_space<vmem>>
    tpu.wait_dma2 semaphore(%arg22 : memref<!tpu.dma_semaphore, #tpu.memory_space<semaphore_mem>>) src(%dma_wait3A_322 : memref<128x128xf32, #tpu.memory_space<vmem>>) dst(%dma_wait3A_318 : memref<128x128xf32, #tpu.memory_space<hbm>>)
    %dma_start3A_323 = arith.constant 3 : i32
    %dma_start3A_324 = arith.constant 2 : i32
    %dma_start3A_325 = arith.constant 0 : i32
    %dma_start3A_326 = arith.constant 0 : i32
    %dma_start3A_327 = tpu.memref_slice %arg11[%dma_start3A_324, %dma_start3A_325, %dma_start3A_326] : memref<7x128x128xf32, #tpu.memory_space<vmem>> -> memref<1x128x128xf32, #tpu.memory_space<vmem>>
    %dma_start3A_328 = tpu.memref_squeeze %dma_start3A_327 : memref<1x128x128xf32, #tpu.memory_space<vmem>> -> memref<128x128xf32, #tpu.memory_space<vmem>>
    %dma_start3A_329 = arith.constant 0 : i32
    %dma_start3A_330 = tpu.memref_slice %arg10[%dma_start3A_323, %dma_start3A_329] : memref<12x128xi32, #tpu.memory_space<vmem>> -> memref<1x128xi32, #tpu.memory_space<vmem>>
    %dma_start3A_331 = tpu.memref_squeeze %dma_start3A_330 : memref<1x128xi32, #tpu.memory_space<vmem>> -> memref<128xi32, #tpu.memory_space<vmem>>
    %dma_start3A_332 = arith.constant 0 : i32
    %dma_start3A_333 = arith.constant 0 : i32
    %dma_start3A_334 = tpu.memref_slice %arg5[%dma_start3A_332, %dma_start3A_333] : memref<100000x128xf32, #tpu.memory_space<hbm>> -> memref<100000x128xf32, #tpu.memory_space<hbm>>
    tpu.enqueue_indirect_dma source(%dma_start3A_334 : memref<100000x128xf32, #tpu.memory_space<hbm>>) target(%dma_start3A_328 : memref<128x128xf32, #tpu.memory_space<vmem>>) offsets(%dma_start3A_331 : memref<128xi32, #tpu.memory_space<vmem>>) semaphore(%arg15 : memref<!tpu.dma_semaphore, #tpu.memory_space<semaphore_mem>>)
    %dma_wait3A_335 = arith.constant 9 : i32
    %dma_wait3A_336 = arith.constant 5 : i32
    %dma_wait3A_337 = arith.constant 0 : i32
    %dma_wait3A_338 = arith.constant 0 : i32
    %dma_wait3A_339 = tpu.memref_slice %arg11[%dma_wait3A_336, %dma_wait3A_337, %dma_wait3A_338] : memref<7x128x128xf32, #tpu.memory_space<vmem>> -> memref<1x128x128xf32, #tpu.memory_space<vmem>>
    %dma_wait3A_340 = tpu.memref_squeeze %dma_wait3A_339 : memref<1x128x128xf32, #tpu.memory_space<vmem>> -> memref<128x128xf32, #tpu.memory_space<vmem>>
    %dma_wait3A_341 = arith.constant 0 : i32
    %dma_wait3A_342 = tpu.memref_slice %arg10[%dma_wait3A_335, %dma_wait3A_341] : memref<12x128xi32, #tpu.memory_space<vmem>> -> memref<1x128xi32, #tpu.memory_space<vmem>>
    %dma_wait3A_343 = tpu.memref_squeeze %dma_wait3A_342 : memref<1x128xi32, #tpu.memory_space<vmem>> -> memref<128xi32, #tpu.memory_space<vmem>>
    %dma_wait3A_344 = arith.constant 0 : i32
    %dma_wait3A_345 = arith.constant 0 : i32
    %dma_wait3A_346 = tpu.memref_slice %arg5[%dma_wait3A_344, %dma_wait3A_345] : memref<100000x128xf32, #tpu.memory_space<hbm>> -> memref<100000x128xf32, #tpu.memory_space<hbm>>
    tpu.wait_indirect_dma semaphore(%arg18 : memref<!tpu.dma_semaphore, #tpu.memory_space<semaphore_mem>>) src(%dma_wait3A_346 : memref<100000x128xf32, #tpu.memory_space<hbm>>) dst(%dma_wait3A_340 : memref<128x128xf32, #tpu.memory_space<vmem>>)
    %dma_start3A_347 = arith.constant 5 : i32
    %dma_start3A_348 = arith.constant 0 : i32
    %dma_start3A_349 = arith.constant 0 : i32
    %dma_start3A_350 = tpu.memref_slice %arg11[%dma_start3A_347, %dma_start3A_348, %dma_start3A_349] : memref<7x128x128xf32, #tpu.memory_space<vmem>> -> memref<1x128x128xf32, #tpu.memory_space<vmem>>
    %dma_start3A_351 = tpu.memref_squeeze %dma_start3A_350 : memref<1x128x128xf32, #tpu.memory_space<vmem>> -> memref<128x128xf32, #tpu.memory_space<vmem>>
    %dma_start3A_352 = arith.constant 0 : i32
    %dma_start3A_353 = tpu.memref_slice %arg9[%mul3A_28, %dma_start3A_352] : memref<16384x128xf32, #tpu.memory_space<hbm>> -> memref<128x128xf32, #tpu.memory_space<hbm>>
    %dma_start3A_354 = arith.constant 0 : i32
    %dma_start3A_355 = tpu.memref_slice %arg9[%mul3A_28, %dma_start3A_354] : memref<16384x128xf32, #tpu.memory_space<hbm>> -> memref<128x128xf32, #tpu.memory_space<hbm>>
    %dma_start3A_356 = arith.constant 0 : i32
    %dma_start3A_357 = arith.constant 0 : i32
    %dma_start3A_358 = tpu.memref_slice %arg11[%dma_start3A_347, %dma_start3A_356, %dma_start3A_357] : memref<7x128x128xf32, #tpu.memory_space<vmem>> -> memref<1x128x128xf32, #tpu.memory_space<vmem>>
    %dma_start3A_359 = tpu.memref_squeeze %dma_start3A_358 : memref<1x128x128xf32, #tpu.memory_space<vmem>> -> memref<128x128xf32, #tpu.memory_space<vmem>>
    tpu.enqueue_dma source(%dma_start3A_359 : memref<128x128xf32, #tpu.memory_space<vmem>>) target(%dma_start3A_355 : memref<128x128xf32, #tpu.memory_space<hbm>>) target_semaphore(%arg25 : memref<!tpu.dma_semaphore, #tpu.memory_space<semaphore_mem>>)
    %dma_wait3A_360 = arith.constant 3 : i32
    %dma_wait3A_361 = arith.constant 0 : i32
    %dma_wait3A_362 = arith.constant 0 : i32
    %dma_wait3A_363 = tpu.memref_slice %arg11[%dma_wait3A_360, %dma_wait3A_361, %dma_wait3A_362] : memref<7x128x128xf32, #tpu.memory_space<vmem>> -> memref<1x128x128xf32, #tpu.memory_space<vmem>>
    %dma_wait3A_364 = tpu.memref_squeeze %dma_wait3A_363 : memref<1x128x128xf32, #tpu.memory_space<vmem>> -> memref<128x128xf32, #tpu.memory_space<vmem>>
    %dma_wait3A_365 = arith.constant 0 : i32
    %dma_wait3A_366 = tpu.memref_slice %arg7[%mul3A_20, %dma_wait3A_365] : memref<16384x128xf32, #tpu.memory_space<hbm>> -> memref<128x128xf32, #tpu.memory_space<hbm>>
    %dma_wait3A_367 = arith.constant 0 : i32
    %dma_wait3A_368 = tpu.memref_slice %arg7[%mul3A_20, %dma_wait3A_367] : memref<16384x128xf32, #tpu.memory_space<hbm>> -> memref<128x128xf32, #tpu.memory_space<hbm>>
    %dma_wait3A_369 = arith.constant 0 : i32
    %dma_wait3A_370 = arith.constant 0 : i32
    %dma_wait3A_371 = tpu.memref_slice %arg11[%dma_wait3A_360, %dma_wait3A_369, %dma_wait3A_370] : memref<7x128x128xf32, #tpu.memory_space<vmem>> -> memref<1x128x128xf32, #tpu.memory_space<vmem>>
    %dma_wait3A_372 = tpu.memref_squeeze %dma_wait3A_371 : memref<1x128x128xf32, #tpu.memory_space<vmem>> -> memref<128x128xf32, #tpu.memory_space<vmem>>
    tpu.wait_dma2 semaphore(%arg23 : memref<!tpu.dma_semaphore, #tpu.memory_space<semaphore_mem>>) src(%dma_wait3A_372 : memref<128x128xf32, #tpu.memory_space<vmem>>) dst(%dma_wait3A_368 : memref<128x128xf32, #tpu.memory_space<hbm>>)
    %dma_start3A_373 = arith.constant 7 : i32
    %dma_start3A_374 = arith.constant 3 : i32
    %dma_start3A_375 = arith.constant 0 : i32
    %dma_start3A_376 = arith.constant 0 : i32
    %dma_start3A_377 = tpu.memref_slice %arg11[%dma_start3A_374, %dma_start3A_375, %dma_start3A_376] : memref<7x128x128xf32, #tpu.memory_space<vmem>> -> memref<1x128x128xf32, #tpu.memory_space<vmem>>
    %dma_start3A_378 = tpu.memref_squeeze %dma_start3A_377 : memref<1x128x128xf32, #tpu.memory_space<vmem>> -> memref<128x128xf32, #tpu.memory_space<vmem>>
    %dma_start3A_379 = arith.constant 0 : i32
    %dma_start3A_380 = tpu.memref_slice %arg10[%dma_start3A_373, %dma_start3A_379] : memref<12x128xi32, #tpu.memory_space<vmem>> -> memref<1x128xi32, #tpu.memory_space<vmem>>
    %dma_start3A_381 = tpu.memref_squeeze %dma_start3A_380 : memref<1x128xi32, #tpu.memory_space<vmem>> -> memref<128xi32, #tpu.memory_space<vmem>>
    %dma_start3A_382 = arith.constant 0 : i32
    %dma_start3A_383 = arith.constant 0 : i32
    %dma_start3A_384 = tpu.memref_slice %arg12[%dma_start3A_382, %dma_start3A_383] : memref<1000x128xf32, #tpu.memory_space<vmem_shared>> -> memref<1000x128xf32, #tpu.memory_space<vmem_shared>>
    tpu.enqueue_indirect_dma source(%dma_start3A_384 : memref<1000x128xf32, #tpu.memory_space<vmem_shared>>) target(%dma_start3A_378 : memref<128x128xf32, #tpu.memory_space<vmem>>) offsets(%dma_start3A_381 : memref<128xi32, #tpu.memory_space<vmem>>) semaphore(%arg16 : memref<!tpu.dma_semaphore, #tpu.memory_space<semaphore_mem>>)
    %dma_wait3A_385 = arith.constant 2 : i32
    %dma_wait3A_386 = arith.constant 6 : i32
    %dma_wait3A_387 = arith.constant 0 : i32
    %dma_wait3A_388 = arith.constant 0 : i32
    %dma_wait3A_389 = tpu.memref_slice %arg11[%dma_wait3A_386, %dma_wait3A_387, %dma_wait3A_388] : memref<7x128x128xf32, #tpu.memory_space<vmem>> -> memref<1x128x128xf32, #tpu.memory_space<vmem>>
    %dma_wait3A_390 = tpu.memref_squeeze %dma_wait3A_389 : memref<1x128x128xf32, #tpu.memory_space<vmem>> -> memref<128x128xf32, #tpu.memory_space<vmem>>
    %dma_wait3A_391 = arith.constant 0 : i32
    %dma_wait3A_392 = tpu.memref_slice %arg10[%dma_wait3A_385, %dma_wait3A_391] : memref<12x128xi32, #tpu.memory_space<vmem>> -> memref<1x128xi32, #tpu.memory_space<vmem>>
    %dma_wait3A_393 = tpu.memref_squeeze %dma_wait3A_392 : memref<1x128xi32, #tpu.memory_space<vmem>> -> memref<128xi32, #tpu.memory_space<vmem>>
    %dma_wait3A_394 = arith.constant 0 : i32
    %dma_wait3A_395 = arith.constant 0 : i32
    %dma_wait3A_396 = tpu.memref_slice %arg5[%dma_wait3A_394, %dma_wait3A_395] : memref<100000x128xf32, #tpu.memory_space<hbm>> -> memref<100000x128xf32, #tpu.memory_space<hbm>>
    tpu.wait_indirect_dma semaphore(%arg19 : memref<!tpu.dma_semaphore, #tpu.memory_space<semaphore_mem>>) src(%dma_wait3A_396 : memref<100000x128xf32, #tpu.memory_space<hbm>>) dst(%dma_wait3A_390 : memref<128x128xf32, #tpu.memory_space<vmem>>)
    %dma_start3A_397 = arith.constant 6 : i32
    %dma_start3A_398 = arith.constant 0 : i32
    %dma_start3A_399 = arith.constant 0 : i32
    %dma_start3A_400 = tpu.memref_slice %arg11[%dma_start3A_397, %dma_start3A_398, %dma_start3A_399] : memref<7x128x128xf32, #tpu.memory_space<vmem>> -> memref<1x128x128xf32, #tpu.memory_space<vmem>>
    %dma_start3A_401 = tpu.memref_squeeze %dma_start3A_400 : memref<1x128x128xf32, #tpu.memory_space<vmem>> -> memref<128x128xf32, #tpu.memory_space<vmem>>
    %dma_start3A_402 = arith.constant 0 : i32
    %dma_start3A_403 = tpu.memref_slice %arg7[%mul3A_32, %dma_start3A_402] : memref<16384x128xf32, #tpu.memory_space<hbm>> -> memref<128x128xf32, #tpu.memory_space<hbm>>
    %dma_start3A_404 = arith.constant 0 : i32
    %dma_start3A_405 = tpu.memref_slice %arg7[%mul3A_32, %dma_start3A_404] : memref<16384x128xf32, #tpu.memory_space<hbm>> -> memref<128x128xf32, #tpu.memory_space<hbm>>
    %dma_start3A_406 = arith.constant 0 : i32
    %dma_start3A_407 = arith.constant 0 : i32
    %dma_start3A_408 = tpu.memref_slice %arg11[%dma_start3A_397, %dma_start3A_406, %dma_start3A_407] : memref<7x128x128xf32, #tpu.memory_space<vmem>> -> memref<1x128x128xf32, #tpu.memory_space<vmem>>
    %dma_start3A_409 = tpu.memref_squeeze %dma_start3A_408 : memref<1x128x128xf32, #tpu.memory_space<vmem>> -> memref<128x128xf32, #tpu.memory_space<vmem>>
    tpu.enqueue_dma source(%dma_start3A_409 : memref<128x128xf32, #tpu.memory_space<vmem>>) target(%dma_start3A_405 : memref<128x128xf32, #tpu.memory_space<hbm>>) target_semaphore(%arg26 : memref<!tpu.dma_semaphore, #tpu.memory_space<semaphore_mem>>)
    %dma_wait3A_410 = arith.constant 4 : i32
    %dma_wait3A_411 = arith.constant 0 : i32
    %dma_wait3A_412 = arith.constant 0 : i32
    %dma_wait3A_413 = tpu.memref_slice %arg11[%dma_wait3A_410, %dma_wait3A_411, %dma_wait3A_412] : memref<7x128x128xf32, #tpu.memory_space<vmem>> -> memref<1x128x128xf32, #tpu.memory_space<vmem>>
    %dma_wait3A_414 = tpu.memref_squeeze %dma_wait3A_413 : memref<1x128x128xf32, #tpu.memory_space<vmem>> -> memref<128x128xf32, #tpu.memory_space<vmem>>
    %dma_wait3A_415 = arith.constant 0 : i32
    %dma_wait3A_416 = tpu.memref_slice %arg8[%mul3A_24, %dma_wait3A_415] : memref<16384x128xf32, #tpu.memory_space<hbm>> -> memref<128x128xf32, #tpu.memory_space<hbm>>
    %dma_wait3A_417 = arith.constant 0 : i32
    %dma_wait3A_418 = tpu.memref_slice %arg8[%mul3A_24, %dma_wait3A_417] : memref<16384x128xf32, #tpu.memory_space<hbm>> -> memref<128x128xf32, #tpu.memory_space<hbm>>
    %dma_wait3A_419 = arith.constant 0 : i32
    %dma_wait3A_420 = arith.constant 0 : i32
    %dma_wait3A_421 = tpu.memref_slice %arg11[%dma_wait3A_410, %dma_wait3A_419, %dma_wait3A_420] : memref<7x128x128xf32, #tpu.memory_space<vmem>> -> memref<1x128x128xf32, #tpu.memory_space<vmem>>
    %dma_wait3A_422 = tpu.memref_squeeze %dma_wait3A_421 : memref<1x128x128xf32, #tpu.memory_space<vmem>> -> memref<128x128xf32, #tpu.memory_space<vmem>>
    tpu.wait_dma2 semaphore(%arg24 : memref<!tpu.dma_semaphore, #tpu.memory_space<semaphore_mem>>) src(%dma_wait3A_422 : memref<128x128xf32, #tpu.memory_space<vmem>>) dst(%dma_wait3A_418 : memref<128x128xf32, #tpu.memory_space<hbm>>)
    %dma_start3A_423 = arith.constant 11 : i32
    %dma_start3A_424 = arith.constant 4 : i32
    %dma_start3A_425 = arith.constant 0 : i32
    %dma_start3A_426 = arith.constant 0 : i32
    %dma_start3A_427 = tpu.memref_slice %arg11[%dma_start3A_424, %dma_start3A_425, %dma_start3A_426] : memref<7x128x128xf32, #tpu.memory_space<vmem>> -> memref<1x128x128xf32, #tpu.memory_space<vmem>>
    %dma_start3A_428 = tpu.memref_squeeze %dma_start3A_427 : memref<1x128x128xf32, #tpu.memory_space<vmem>> -> memref<128x128xf32, #tpu.memory_space<vmem>>
    %dma_start3A_429 = arith.constant 0 : i32
    %dma_start3A_430 = tpu.memref_slice %arg10[%dma_start3A_423, %dma_start3A_429] : memref<12x128xi32, #tpu.memory_space<vmem>> -> memref<1x128xi32, #tpu.memory_space<vmem>>
    %dma_start3A_431 = tpu.memref_squeeze %dma_start3A_430 : memref<1x128xi32, #tpu.memory_space<vmem>> -> memref<128xi32, #tpu.memory_space<vmem>>
    %dma_start3A_432 = arith.constant 0 : i32
    %dma_start3A_433 = arith.constant 0 : i32
    %dma_start3A_434 = tpu.memref_slice %arg5[%dma_start3A_432, %dma_start3A_433] : memref<100000x128xf32, #tpu.memory_space<hbm>> -> memref<100000x128xf32, #tpu.memory_space<hbm>>
    tpu.enqueue_indirect_dma source(%dma_start3A_434 : memref<100000x128xf32, #tpu.memory_space<hbm>>) target(%dma_start3A_428 : memref<128x128xf32, #tpu.memory_space<vmem>>) offsets(%dma_start3A_431 : memref<128xi32, #tpu.memory_space<vmem>>) semaphore(%arg17 : memref<!tpu.dma_semaphore, #tpu.memory_space<semaphore_mem>>)
    %dma_wait3A_435 = arith.constant 6 : i32
    %dma_wait3A_436 = arith.constant 0 : i32
    %dma_wait3A_437 = arith.constant 0 : i32
    %dma_wait3A_438 = arith.constant 0 : i32
    %dma_wait3A_439 = tpu.memref_slice %arg11[%dma_wait3A_436, %dma_wait3A_437, %dma_wait3A_438] : memref<7x128x128xf32, #tpu.memory_space<vmem>> -> memref<1x128x128xf32, #tpu.memory_space<vmem>>
    %dma_wait3A_440 = tpu.memref_squeeze %dma_wait3A_439 : memref<1x128x128xf32, #tpu.memory_space<vmem>> -> memref<128x128xf32, #tpu.memory_space<vmem>>
    %dma_wait3A_441 = arith.constant 0 : i32
    %dma_wait3A_442 = tpu.memref_slice %arg10[%dma_wait3A_435, %dma_wait3A_441] : memref<12x128xi32, #tpu.memory_space<vmem>> -> memref<1x128xi32, #tpu.memory_space<vmem>>
    %dma_wait3A_443 = tpu.memref_squeeze %dma_wait3A_442 : memref<1x128xi32, #tpu.memory_space<vmem>> -> memref<128xi32, #tpu.memory_space<vmem>>
    %dma_wait3A_444 = arith.constant 0 : i32
    %dma_wait3A_445 = arith.constant 0 : i32
    %dma_wait3A_446 = tpu.memref_slice %arg12[%dma_wait3A_444, %dma_wait3A_445] : memref<1000x128xf32, #tpu.memory_space<vmem_shared>> -> memref<1000x128xf32, #tpu.memory_space<vmem_shared>>
    tpu.wait_indirect_dma semaphore(%arg13 : memref<!tpu.dma_semaphore, #tpu.memory_space<semaphore_mem>>) src(%dma_wait3A_446 : memref<1000x128xf32, #tpu.memory_space<vmem_shared>>) dst(%dma_wait3A_440 : memref<128x128xf32, #tpu.memory_space<vmem>>)
    %dma_start3A_447 = arith.constant 0 : i32
    %dma_start3A_448 = arith.constant 0 : i32
    %dma_start3A_449 = arith.constant 0 : i32
    %dma_start3A_450 = tpu.memref_slice %arg11[%dma_start3A_447, %dma_start3A_448, %dma_start3A_449] : memref<7x128x128xf32, #tpu.memory_space<vmem>> -> memref<1x128x128xf32, #tpu.memory_space<vmem>>
    %dma_start3A_451 = tpu.memref_squeeze %dma_start3A_450 : memref<1x128x128xf32, #tpu.memory_space<vmem>> -> memref<128x128xf32, #tpu.memory_space<vmem>>
    %dma_start3A_452 = arith.constant 0 : i32
    %dma_start3A_453 = tpu.memref_slice %arg8[%mul3A_36, %dma_start3A_452] : memref<16384x128xf32, #tpu.memory_space<hbm>> -> memref<128x128xf32, #tpu.memory_space<hbm>>
    %dma_start3A_454 = arith.constant 0 : i32
    %dma_start3A_455 = tpu.memref_slice %arg8[%mul3A_36, %dma_start3A_454] : memref<16384x128xf32, #tpu.memory_space<hbm>> -> memref<128x128xf32, #tpu.memory_space<hbm>>
    %dma_start3A_456 = arith.constant 0 : i32
    %dma_start3A_457 = arith.constant 0 : i32
    %dma_start3A_458 = tpu.memref_slice %arg11[%dma_start3A_447, %dma_start3A_456, %dma_start3A_457] : memref<7x128x128xf32, #tpu.memory_space<vmem>> -> memref<1x128x128xf32, #tpu.memory_space<vmem>>
    %dma_start3A_459 = tpu.memref_squeeze %dma_start3A_458 : memref<1x128x128xf32, #tpu.memory_space<vmem>> -> memref<128x128xf32, #tpu.memory_space<vmem>>
    tpu.enqueue_dma source(%dma_start3A_459 : memref<128x128xf32, #tpu.memory_space<vmem>>) target(%dma_start3A_455 : memref<128x128xf32, #tpu.memory_space<hbm>>) target_semaphore(%arg20 : memref<!tpu.dma_semaphore, #tpu.memory_space<semaphore_mem>>)
    %dma_wait3A_460 = arith.constant 10 : i32
    %dma_wait3A_461 = arith.constant 1 : i32
    %dma_wait3A_462 = arith.constant 0 : i32
    %dma_wait3A_463 = arith.constant 0 : i32
    %dma_wait3A_464 = tpu.memref_slice %arg11[%dma_wait3A_461, %dma_wait3A_462, %dma_wait3A_463] : memref<7x128x128xf32, #tpu.memory_space<vmem>> -> memref<1x128x128xf32, #tpu.memory_space<vmem>>
    %dma_wait3A_465 = tpu.memref_squeeze %dma_wait3A_464 : memref<1x128x128xf32, #tpu.memory_space<vmem>> -> memref<128x128xf32, #tpu.memory_space<vmem>>
    %dma_wait3A_466 = arith.constant 0 : i32
    %dma_wait3A_467 = tpu.memref_slice %arg10[%dma_wait3A_460, %dma_wait3A_466] : memref<12x128xi32, #tpu.memory_space<vmem>> -> memref<1x128xi32, #tpu.memory_space<vmem>>
    %dma_wait3A_468 = tpu.memref_squeeze %dma_wait3A_467 : memref<1x128xi32, #tpu.memory_space<vmem>> -> memref<128xi32, #tpu.memory_space<vmem>>
    %dma_wait3A_469 = arith.constant 0 : i32
    %dma_wait3A_470 = arith.constant 0 : i32
    %dma_wait3A_471 = tpu.memref_slice %arg5[%dma_wait3A_469, %dma_wait3A_470] : memref<100000x128xf32, #tpu.memory_space<hbm>> -> memref<100000x128xf32, #tpu.memory_space<hbm>>
    tpu.wait_indirect_dma semaphore(%arg14 : memref<!tpu.dma_semaphore, #tpu.memory_space<semaphore_mem>>) src(%dma_wait3A_471 : memref<100000x128xf32, #tpu.memory_space<hbm>>) dst(%dma_wait3A_465 : memref<128x128xf32, #tpu.memory_space<vmem>>)
    %dma_start3A_472 = arith.constant 1 : i32
    %dma_start3A_473 = arith.constant 0 : i32
    %dma_start3A_474 = arith.constant 0 : i32
    %dma_start3A_475 = tpu.memref_slice %arg11[%dma_start3A_472, %dma_start3A_473, %dma_start3A_474] : memref<7x128x128xf32, #tpu.memory_space<vmem>> -> memref<1x128x128xf32, #tpu.memory_space<vmem>>
    %dma_start3A_476 = tpu.memref_squeeze %dma_start3A_475 : memref<1x128x128xf32, #tpu.memory_space<vmem>> -> memref<128x128xf32, #tpu.memory_space<vmem>>
    %dma_start3A_477 = arith.constant 0 : i32
    %dma_start3A_478 = tpu.memref_slice %arg9[%mul3A_40, %dma_start3A_477] : memref<16384x128xf32, #tpu.memory_space<hbm>> -> memref<128x128xf32, #tpu.memory_space<hbm>>
    %dma_start3A_479 = arith.constant 0 : i32
    %dma_start3A_480 = tpu.memref_slice %arg9[%mul3A_40, %dma_start3A_479] : memref<16384x128xf32, #tpu.memory_space<hbm>> -> memref<128x128xf32, #tpu.memory_space<hbm>>
    %dma_start3A_481 = arith.constant 0 : i32
    %dma_start3A_482 = arith.constant 0 : i32
    %dma_start3A_483 = tpu.memref_slice %arg11[%dma_start3A_472, %dma_start3A_481, %dma_start3A_482] : memref<7x128x128xf32, #tpu.memory_space<vmem>> -> memref<1x128x128xf32, #tpu.memory_space<vmem>>
    %dma_start3A_484 = tpu.memref_squeeze %dma_start3A_483 : memref<1x128x128xf32, #tpu.memory_space<vmem>> -> memref<128x128xf32, #tpu.memory_space<vmem>>
    tpu.enqueue_dma source(%dma_start3A_484 : memref<128x128xf32, #tpu.memory_space<vmem>>) target(%dma_start3A_480 : memref<128x128xf32, #tpu.memory_space<hbm>>) target_semaphore(%arg21 : memref<!tpu.dma_semaphore, #tpu.memory_space<semaphore_mem>>)
    %dma_wait3A_485 = arith.constant 3 : i32
    %dma_wait3A_486 = arith.constant 2 : i32
    %dma_wait3A_487 = arith.constant 0 : i32
    %dma_wait3A_488 = arith.constant 0 : i32
    %dma_wait3A_489 = tpu.memref_slice %arg11[%dma_wait3A_486, %dma_wait3A_487, %dma_wait3A_488] : memref<7x128x128xf32, #tpu.memory_space<vmem>> -> memref<1x128x128xf32, #tpu.memory_space<vmem>>
    %dma_wait3A_490 = tpu.memref_squeeze %dma_wait3A_489 : memref<1x128x128xf32, #tpu.memory_space<vmem>> -> memref<128x128xf32, #tpu.memory_space<vmem>>
    %dma_wait3A_491 = arith.constant 0 : i32
    %dma_wait3A_492 = tpu.memref_slice %arg10[%dma_wait3A_485, %dma_wait3A_491] : memref<12x128xi32, #tpu.memory_space<vmem>> -> memref<1x128xi32, #tpu.memory_space<vmem>>
    %dma_wait3A_493 = tpu.memref_squeeze %dma_wait3A_492 : memref<1x128xi32, #tpu.memory_space<vmem>> -> memref<128xi32, #tpu.memory_space<vmem>>
    %dma_wait3A_494 = arith.constant 0 : i32
    %dma_wait3A_495 = arith.constant 0 : i32
    %dma_wait3A_496 = tpu.memref_slice %arg5[%dma_wait3A_494, %dma_wait3A_495] : memref<100000x128xf32, #tpu.memory_space<hbm>> -> memref<100000x128xf32, #tpu.memory_space<hbm>>
    tpu.wait_indirect_dma semaphore(%arg15 : memref<!tpu.dma_semaphore, #tpu.memory_space<semaphore_mem>>) src(%dma_wait3A_496 : memref<100000x128xf32, #tpu.memory_space<hbm>>) dst(%dma_wait3A_490 : memref<128x128xf32, #tpu.memory_space<vmem>>)
    %dma_start3A_497 = arith.constant 2 : i32
    %dma_start3A_498 = arith.constant 0 : i32
    %dma_start3A_499 = arith.constant 0 : i32
    %dma_start3A_500 = tpu.memref_slice %arg11[%dma_start3A_497, %dma_start3A_498, %dma_start3A_499] : memref<7x128x128xf32, #tpu.memory_space<vmem>> -> memref<1x128x128xf32, #tpu.memory_space<vmem>>
    %dma_start3A_501 = tpu.memref_squeeze %dma_start3A_500 : memref<1x128x128xf32, #tpu.memory_space<vmem>> -> memref<128x128xf32, #tpu.memory_space<vmem>>
    %dma_start3A_502 = arith.constant 0 : i32
    %dma_start3A_503 = tpu.memref_slice %arg7[%mul3A_44, %dma_start3A_502] : memref<16384x128xf32, #tpu.memory_space<hbm>> -> memref<128x128xf32, #tpu.memory_space<hbm>>
    %dma_start3A_504 = arith.constant 0 : i32
    %dma_start3A_505 = tpu.memref_slice %arg7[%mul3A_44, %dma_start3A_504] : memref<16384x128xf32, #tpu.memory_space<hbm>> -> memref<128x128xf32, #tpu.memory_space<hbm>>
    %dma_start3A_506 = arith.constant 0 : i32
    %dma_start3A_507 = arith.constant 0 : i32
    %dma_start3A_508 = tpu.memref_slice %arg11[%dma_start3A_497, %dma_start3A_506, %dma_start3A_507] : memref<7x128x128xf32, #tpu.memory_space<vmem>> -> memref<1x128x128xf32, #tpu.memory_space<vmem>>
    %dma_start3A_509 = tpu.memref_squeeze %dma_start3A_508 : memref<1x128x128xf32, #tpu.memory_space<vmem>> -> memref<128x128xf32, #tpu.memory_space<vmem>>
    tpu.enqueue_dma source(%dma_start3A_509 : memref<128x128xf32, #tpu.memory_space<vmem>>) target(%dma_start3A_505 : memref<128x128xf32, #tpu.memory_space<hbm>>) target_semaphore(%arg22 : memref<!tpu.dma_semaphore, #tpu.memory_space<semaphore_mem>>)
    %dma_wait3A_510 = arith.constant 7 : i32
    %dma_wait3A_511 = arith.constant 3 : i32
    %dma_wait3A_512 = arith.constant 0 : i32
    %dma_wait3A_513 = arith.constant 0 : i32
    %dma_wait3A_514 = tpu.memref_slice %arg11[%dma_wait3A_511, %dma_wait3A_512, %dma_wait3A_513] : memref<7x128x128xf32, #tpu.memory_space<vmem>> -> memref<1x128x128xf32, #tpu.memory_space<vmem>>
    %dma_wait3A_515 = tpu.memref_squeeze %dma_wait3A_514 : memref<1x128x128xf32, #tpu.memory_space<vmem>> -> memref<128x128xf32, #tpu.memory_space<vmem>>
    %dma_wait3A_516 = arith.constant 0 : i32
    %dma_wait3A_517 = tpu.memref_slice %arg10[%dma_wait3A_510, %dma_wait3A_516] : memref<12x128xi32, #tpu.memory_space<vmem>> -> memref<1x128xi32, #tpu.memory_space<vmem>>
    %dma_wait3A_518 = tpu.memref_squeeze %dma_wait3A_517 : memref<1x128xi32, #tpu.memory_space<vmem>> -> memref<128xi32, #tpu.memory_space<vmem>>
    %dma_wait3A_519 = arith.constant 0 : i32
    %dma_wait3A_520 = arith.constant 0 : i32
    %dma_wait3A_521 = tpu.memref_slice %arg12[%dma_wait3A_519, %dma_wait3A_520] : memref<1000x128xf32, #tpu.memory_space<vmem_shared>> -> memref<1000x128xf32, #tpu.memory_space<vmem_shared>>
    tpu.wait_indirect_dma semaphore(%arg16 : memref<!tpu.dma_semaphore, #tpu.memory_space<semaphore_mem>>) src(%dma_wait3A_521 : memref<1000x128xf32, #tpu.memory_space<vmem_shared>>) dst(%dma_wait3A_515 : memref<128x128xf32, #tpu.memory_space<vmem>>)
    %dma_start3A_522 = arith.constant 3 : i32
    %dma_start3A_523 = arith.constant 0 : i32
    %dma_start3A_524 = arith.constant 0 : i32
    %dma_start3A_525 = tpu.memref_slice %arg11[%dma_start3A_522, %dma_start3A_523, %dma_start3A_524] : memref<7x128x128xf32, #tpu.memory_space<vmem>> -> memref<1x128x128xf32, #tpu.memory_space<vmem>>
    %dma_start3A_526 = tpu.memref_squeeze %dma_start3A_525 : memref<1x128x128xf32, #tpu.memory_space<vmem>> -> memref<128x128xf32, #tpu.memory_space<vmem>>
    %dma_start3A_527 = arith.constant 0 : i32
    %dma_start3A_528 = tpu.memref_slice %arg8[%mul3A_48, %dma_start3A_527] : memref<16384x128xf32, #tpu.memory_space<hbm>> -> memref<128x128xf32, #tpu.memory_space<hbm>>
    %dma_start3A_529 = arith.constant 0 : i32
    %dma_start3A_530 = tpu.memref_slice %arg8[%mul3A_48, %dma_start3A_529] : memref<16384x128xf32, #tpu.memory_space<hbm>> -> memref<128x128xf32, #tpu.memory_space<hbm>>
    %dma_start3A_531 = arith.constant 0 : i32
    %dma_start3A_532 = arith.constant 0 : i32
    %dma_start3A_533 = tpu.memref_slice %arg11[%dma_start3A_522, %dma_start3A_531, %dma_start3A_532] : memref<7x128x128xf32, #tpu.memory_space<vmem>> -> memref<1x128x128xf32, #tpu.memory_space<vmem>>
    %dma_start3A_534 = tpu.memref_squeeze %dma_start3A_533 : memref<1x128x128xf32, #tpu.memory_space<vmem>> -> memref<128x128xf32, #tpu.memory_space<vmem>>
    tpu.enqueue_dma source(%dma_start3A_534 : memref<128x128xf32, #tpu.memory_space<vmem>>) target(%dma_start3A_530 : memref<128x128xf32, #tpu.memory_space<hbm>>) target_semaphore(%arg23 : memref<!tpu.dma_semaphore, #tpu.memory_space<semaphore_mem>>)
    %dma_wait3A_535 = arith.constant 11 : i32
    %dma_wait3A_536 = arith.constant 4 : i32
    %dma_wait3A_537 = arith.constant 0 : i32
    %dma_wait3A_538 = arith.constant 0 : i32
    %dma_wait3A_539 = tpu.memref_slice %arg11[%dma_wait3A_536, %dma_wait3A_537, %dma_wait3A_538] : memref<7x128x128xf32, #tpu.memory_space<vmem>> -> memref<1x128x128xf32, #tpu.memory_space<vmem>>
    %dma_wait3A_540 = tpu.memref_squeeze %dma_wait3A_539 : memref<1x128x128xf32, #tpu.memory_space<vmem>> -> memref<128x128xf32, #tpu.memory_space<vmem>>
    %dma_wait3A_541 = arith.constant 0 : i32
    %dma_wait3A_542 = tpu.memref_slice %arg10[%dma_wait3A_535, %dma_wait3A_541] : memref<12x128xi32, #tpu.memory_space<vmem>> -> memref<1x128xi32, #tpu.memory_space<vmem>>
    %dma_wait3A_543 = tpu.memref_squeeze %dma_wait3A_542 : memref<1x128xi32, #tpu.memory_space<vmem>> -> memref<128xi32, #tpu.memory_space<vmem>>
    %dma_wait3A_544 = arith.constant 0 : i32
    %dma_wait3A_545 = arith.constant 0 : i32
    %dma_wait3A_546 = tpu.memref_slice %arg5[%dma_wait3A_544, %dma_wait3A_545] : memref<100000x128xf32, #tpu.memory_space<hbm>> -> memref<100000x128xf32, #tpu.memory_space<hbm>>
    tpu.wait_indirect_dma semaphore(%arg17 : memref<!tpu.dma_semaphore, #tpu.memory_space<semaphore_mem>>) src(%dma_wait3A_546 : memref<100000x128xf32, #tpu.memory_space<hbm>>) dst(%dma_wait3A_540 : memref<128x128xf32, #tpu.memory_space<vmem>>)
    %dma_start3A_547 = arith.constant 4 : i32
    %dma_start3A_548 = arith.constant 0 : i32
    %dma_start3A_549 = arith.constant 0 : i32
    %dma_start3A_550 = tpu.memref_slice %arg11[%dma_start3A_547, %dma_start3A_548, %dma_start3A_549] : memref<7x128x128xf32, #tpu.memory_space<vmem>> -> memref<1x128x128xf32, #tpu.memory_space<vmem>>
    %dma_start3A_551 = tpu.memref_squeeze %dma_start3A_550 : memref<1x128x128xf32, #tpu.memory_space<vmem>> -> memref<128x128xf32, #tpu.memory_space<vmem>>
    %dma_start3A_552 = arith.constant 0 : i32
    %dma_start3A_553 = tpu.memref_slice %arg9[%mul3A_52, %dma_start3A_552] : memref<16384x128xf32, #tpu.memory_space<hbm>> -> memref<128x128xf32, #tpu.memory_space<hbm>>
    %dma_start3A_554 = arith.constant 0 : i32
    %dma_start3A_555 = tpu.memref_slice %arg9[%mul3A_52, %dma_start3A_554] : memref<16384x128xf32, #tpu.memory_space<hbm>> -> memref<128x128xf32, #tpu.memory_space<hbm>>
    %dma_start3A_556 = arith.constant 0 : i32
    %dma_start3A_557 = arith.constant 0 : i32
    %dma_start3A_558 = tpu.memref_slice %arg11[%dma_start3A_547, %dma_start3A_556, %dma_start3A_557] : memref<7x128x128xf32, #tpu.memory_space<vmem>> -> memref<1x128x128xf32, #tpu.memory_space<vmem>>
    %dma_start3A_559 = tpu.memref_squeeze %dma_start3A_558 : memref<1x128x128xf32, #tpu.memory_space<vmem>> -> memref<128x128xf32, #tpu.memory_space<vmem>>
    tpu.enqueue_dma source(%dma_start3A_559 : memref<128x128xf32, #tpu.memory_space<vmem>>) target(%dma_start3A_555 : memref<128x128xf32, #tpu.memory_space<hbm>>) target_semaphore(%arg24 : memref<!tpu.dma_semaphore, #tpu.memory_space<semaphore_mem>>)
    %dma_wait3A_560 = arith.constant 5 : i32
    %dma_wait3A_561 = arith.constant 0 : i32
    %dma_wait3A_562 = arith.constant 0 : i32
    %dma_wait3A_563 = tpu.memref_slice %arg11[%dma_wait3A_560, %dma_wait3A_561, %dma_wait3A_562] : memref<7x128x128xf32, #tpu.memory_space<vmem>> -> memref<1x128x128xf32, #tpu.memory_space<vmem>>
    %dma_wait3A_564 = tpu.memref_squeeze %dma_wait3A_563 : memref<1x128x128xf32, #tpu.memory_space<vmem>> -> memref<128x128xf32, #tpu.memory_space<vmem>>
    %dma_wait3A_565 = arith.constant 0 : i32
    %dma_wait3A_566 = tpu.memref_slice %arg9[%mul3A_28, %dma_wait3A_565] : memref<16384x128xf32, #tpu.memory_space<hbm>> -> memref<128x128xf32, #tpu.memory_space<hbm>>
    %dma_wait3A_567 = arith.constant 0 : i32
    %dma_wait3A_568 = tpu.memref_slice %arg9[%mul3A_28, %dma_wait3A_567] : memref<16384x128xf32, #tpu.memory_space<hbm>> -> memref<128x128xf32, #tpu.memory_space<hbm>>
    %dma_wait3A_569 = arith.constant 0 : i32
    %dma_wait3A_570 = arith.constant 0 : i32
    %dma_wait3A_571 = tpu.memref_slice %arg11[%dma_wait3A_560, %dma_wait3A_569, %dma_wait3A_570] : memref<7x128x128xf32, #tpu.memory_space<vmem>> -> memref<1x128x128xf32, #tpu.memory_space<vmem>>
    %dma_wait3A_572 = tpu.memref_squeeze %dma_wait3A_571 : memref<1x128x128xf32, #tpu.memory_space<vmem>> -> memref<128x128xf32, #tpu.memory_space<vmem>>
    tpu.wait_dma2 semaphore(%arg25 : memref<!tpu.dma_semaphore, #tpu.memory_space<semaphore_mem>>) src(%dma_wait3A_572 : memref<128x128xf32, #tpu.memory_space<vmem>>) dst(%dma_wait3A_568 : memref<128x128xf32, #tpu.memory_space<hbm>>)
    %dma_wait3A_573 = arith.constant 6 : i32
    %dma_wait3A_574 = arith.constant 0 : i32
    %dma_wait3A_575 = arith.constant 0 : i32
    %dma_wait3A_576 = tpu.memref_slice %arg11[%dma_wait3A_573, %dma_wait3A_574, %dma_wait3A_575] : memref<7x128x128xf32, #tpu.memory_space<vmem>> -> memref<1x128x128xf32, #tpu.memory_space<vmem>>
    %dma_wait3A_577 = tpu.memref_squeeze %dma_wait3A_576 : memref<1x128x128xf32, #tpu.memory_space<vmem>> -> memref<128x128xf32, #tpu.memory_space<vmem>>
    %dma_wait3A_578 = arith.constant 0 : i32
    %dma_wait3A_579 = tpu.memref_slice %arg7[%mul3A_32, %dma_wait3A_578] : memref<16384x128xf32, #tpu.memory_space<hbm>> -> memref<128x128xf32, #tpu.memory_space<hbm>>
    %dma_wait3A_580 = arith.constant 0 : i32
    %dma_wait3A_581 = tpu.memref_slice %arg7[%mul3A_32, %dma_wait3A_580] : memref<16384x128xf32, #tpu.memory_space<hbm>> -> memref<128x128xf32, #tpu.memory_space<hbm>>
    %dma_wait3A_582 = arith.constant 0 : i32
    %dma_wait3A_583 = arith.constant 0 : i32
    %dma_wait3A_584 = tpu.memref_slice %arg11[%dma_wait3A_573, %dma_wait3A_582, %dma_wait3A_583] : memref<7x128x128xf32, #tpu.memory_space<vmem>> -> memref<1x128x128xf32, #tpu.memory_space<vmem>>
    %dma_wait3A_585 = tpu.memref_squeeze %dma_wait3A_584 : memref<1x128x128xf32, #tpu.memory_space<vmem>> -> memref<128x128xf32, #tpu.memory_space<vmem>>
    tpu.wait_dma2 semaphore(%arg26 : memref<!tpu.dma_semaphore, #tpu.memory_space<semaphore_mem>>) src(%dma_wait3A_585 : memref<128x128xf32, #tpu.memory_space<vmem>>) dst(%dma_wait3A_581 : memref<128x128xf32, #tpu.memory_space<hbm>>)
    %dma_wait3A_586 = arith.constant 0 : i32
    %dma_wait3A_587 = arith.constant 0 : i32
    %dma_wait3A_588 = arith.constant 0 : i32
    %dma_wait3A_589 = tpu.memref_slice %arg11[%dma_wait3A_586, %dma_wait3A_587, %dma_wait3A_588] : memref<7x128x128xf32, #tpu.memory_space<vmem>> -> memref<1x128x128xf32, #tpu.memory_space<vmem>>
    %dma_wait3A_590 = tpu.memref_squeeze %dma_wait3A_589 : memref<1x128x128xf32, #tpu.memory_space<vmem>> -> memref<128x128xf32, #tpu.memory_space<vmem>>
    %dma_wait3A_591 = arith.constant 0 : i32
    %dma_wait3A_592 = tpu.memref_slice %arg8[%mul3A_36, %dma_wait3A_591] : memref<16384x128xf32, #tpu.memory_space<hbm>> -> memref<128x128xf32, #tpu.memory_space<hbm>>
    %dma_wait3A_593 = arith.constant 0 : i32
    %dma_wait3A_594 = tpu.memref_slice %arg8[%mul3A_36, %dma_wait3A_593] : memref<16384x128xf32, #tpu.memory_space<hbm>> -> memref<128x128xf32, #tpu.memory_space<hbm>>
    %dma_wait3A_595 = arith.constant 0 : i32
    %dma_wait3A_596 = arith.constant 0 : i32
    %dma_wait3A_597 = tpu.memref_slice %arg11[%dma_wait3A_586, %dma_wait3A_595, %dma_wait3A_596] : memref<7x128x128xf32, #tpu.memory_space<vmem>> -> memref<1x128x128xf32, #tpu.memory_space<vmem>>
    %dma_wait3A_598 = tpu.memref_squeeze %dma_wait3A_597 : memref<1x128x128xf32, #tpu.memory_space<vmem>> -> memref<128x128xf32, #tpu.memory_space<vmem>>
    tpu.wait_dma2 semaphore(%arg20 : memref<!tpu.dma_semaphore, #tpu.memory_space<semaphore_mem>>) src(%dma_wait3A_598 : memref<128x128xf32, #tpu.memory_space<vmem>>) dst(%dma_wait3A_594 : memref<128x128xf32, #tpu.memory_space<hbm>>)
    %dma_wait3A_599 = arith.constant 1 : i32
    %dma_wait3A_600 = arith.constant 0 : i32
    %dma_wait3A_601 = arith.constant 0 : i32
    %dma_wait3A_602 = tpu.memref_slice %arg11[%dma_wait3A_599, %dma_wait3A_600, %dma_wait3A_601] : memref<7x128x128xf32, #tpu.memory_space<vmem>> -> memref<1x128x128xf32, #tpu.memory_space<vmem>>
    %dma_wait3A_603 = tpu.memref_squeeze %dma_wait3A_602 : memref<1x128x128xf32, #tpu.memory_space<vmem>> -> memref<128x128xf32, #tpu.memory_space<vmem>>
    %dma_wait3A_604 = arith.constant 0 : i32
    %dma_wait3A_605 = tpu.memref_slice %arg9[%mul3A_40, %dma_wait3A_604] : memref<16384x128xf32, #tpu.memory_space<hbm>> -> memref<128x128xf32, #tpu.memory_space<hbm>>
    %dma_wait3A_606 = arith.constant 0 : i32
    %dma_wait3A_607 = tpu.memref_slice %arg9[%mul3A_40, %dma_wait3A_606] : memref<16384x128xf32, #tpu.memory_space<hbm>> -> memref<128x128xf32, #tpu.memory_space<hbm>>
    %dma_wait3A_608 = arith.constant 0 : i32
    %dma_wait3A_609 = arith.constant 0 : i32
    %dma_wait3A_610 = tpu.memref_slice %arg11[%dma_wait3A_599, %dma_wait3A_608, %dma_wait3A_609] : memref<7x128x128xf32, #tpu.memory_space<vmem>> -> memref<1x128x128xf32, #tpu.memory_space<vmem>>
    %dma_wait3A_611 = tpu.memref_squeeze %dma_wait3A_610 : memref<1x128x128xf32, #tpu.memory_space<vmem>> -> memref<128x128xf32, #tpu.memory_space<vmem>>
    tpu.wait_dma2 semaphore(%arg21 : memref<!tpu.dma_semaphore, #tpu.memory_space<semaphore_mem>>) src(%dma_wait3A_611 : memref<128x128xf32, #tpu.memory_space<vmem>>) dst(%dma_wait3A_607 : memref<128x128xf32, #tpu.memory_space<hbm>>)
    %dma_wait3A_612 = arith.constant 2 : i32
    %dma_wait3A_613 = arith.constant 0 : i32
    %dma_wait3A_614 = arith.constant 0 : i32
    %dma_wait3A_615 = tpu.memref_slice %arg11[%dma_wait3A_612, %dma_wait3A_613, %dma_wait3A_614] : memref<7x128x128xf32, #tpu.memory_space<vmem>> -> memref<1x128x128xf32, #tpu.memory_space<vmem>>
    %dma_wait3A_616 = tpu.memref_squeeze %dma_wait3A_615 : memref<1x128x128xf32, #tpu.memory_space<vmem>> -> memref<128x128xf32, #tpu.memory_space<vmem>>
    %dma_wait3A_617 = arith.constant 0 : i32
    %dma_wait3A_618 = tpu.memref_slice %arg7[%mul3A_44, %dma_wait3A_617] : memref<16384x128xf32, #tpu.memory_space<hbm>> -> memref<128x128xf32, #tpu.memory_space<hbm>>
    %dma_wait3A_619 = arith.constant 0 : i32
    %dma_wait3A_620 = tpu.memref_slice %arg7[%mul3A_44, %dma_wait3A_619] : memref<16384x128xf32, #tpu.memory_space<hbm>> -> memref<128x128xf32, #tpu.memory_space<hbm>>
    %dma_wait3A_621 = arith.constant 0 : i32
    %dma_wait3A_622 = arith.constant 0 : i32
    %dma_wait3A_623 = tpu.memref_slice %arg11[%dma_wait3A_612, %dma_wait3A_621, %dma_wait3A_622] : memref<7x128x128xf32, #tpu.memory_space<vmem>> -> memref<1x128x128xf32, #tpu.memory_space<vmem>>
    %dma_wait3A_624 = tpu.memref_squeeze %dma_wait3A_623 : memref<1x128x128xf32, #tpu.memory_space<vmem>> -> memref<128x128xf32, #tpu.memory_space<vmem>>
    tpu.wait_dma2 semaphore(%arg22 : memref<!tpu.dma_semaphore, #tpu.memory_space<semaphore_mem>>) src(%dma_wait3A_624 : memref<128x128xf32, #tpu.memory_space<vmem>>) dst(%dma_wait3A_620 : memref<128x128xf32, #tpu.memory_space<hbm>>)
    %dma_wait3A_625 = arith.constant 3 : i32
    %dma_wait3A_626 = arith.constant 0 : i32
    %dma_wait3A_627 = arith.constant 0 : i32
    %dma_wait3A_628 = tpu.memref_slice %arg11[%dma_wait3A_625, %dma_wait3A_626, %dma_wait3A_627] : memref<7x128x128xf32, #tpu.memory_space<vmem>> -> memref<1x128x128xf32, #tpu.memory_space<vmem>>
    %dma_wait3A_629 = tpu.memref_squeeze %dma_wait3A_628 : memref<1x128x128xf32, #tpu.memory_space<vmem>> -> memref<128x128xf32, #tpu.memory_space<vmem>>
    %dma_wait3A_630 = arith.constant 0 : i32
    %dma_wait3A_631 = tpu.memref_slice %arg8[%mul3A_48, %dma_wait3A_630] : memref<16384x128xf32, #tpu.memory_space<hbm>> -> memref<128x128xf32, #tpu.memory_space<hbm>>
    %dma_wait3A_632 = arith.constant 0 : i32
    %dma_wait3A_633 = tpu.memref_slice %arg8[%mul3A_48, %dma_wait3A_632] : memref<16384x128xf32, #tpu.memory_space<hbm>> -> memref<128x128xf32, #tpu.memory_space<hbm>>
    %dma_wait3A_634 = arith.constant 0 : i32
    %dma_wait3A_635 = arith.constant 0 : i32
    %dma_wait3A_636 = tpu.memref_slice %arg11[%dma_wait3A_625, %dma_wait3A_634, %dma_wait3A_635] : memref<7x128x128xf32, #tpu.memory_space<vmem>> -> memref<1x128x128xf32, #tpu.memory_space<vmem>>
    %dma_wait3A_637 = tpu.memref_squeeze %dma_wait3A_636 : memref<1x128x128xf32, #tpu.memory_space<vmem>> -> memref<128x128xf32, #tpu.memory_space<vmem>>
    tpu.wait_dma2 semaphore(%arg23 : memref<!tpu.dma_semaphore, #tpu.memory_space<semaphore_mem>>) src(%dma_wait3A_637 : memref<128x128xf32, #tpu.memory_space<vmem>>) dst(%dma_wait3A_633 : memref<128x128xf32, #tpu.memory_space<hbm>>)
    %dma_wait3A_638 = arith.constant 4 : i32
    %dma_wait3A_639 = arith.constant 0 : i32
    %dma_wait3A_640 = arith.constant 0 : i32
    %dma_wait3A_641 = tpu.memref_slice %arg11[%dma_wait3A_638, %dma_wait3A_639, %dma_wait3A_640] : memref<7x128x128xf32, #tpu.memory_space<vmem>> -> memref<1x128x128xf32, #tpu.memory_space<vmem>>
    %dma_wait3A_642 = tpu.memref_squeeze %dma_wait3A_641 : memref<1x128x128xf32, #tpu.memory_space<vmem>> -> memref<128x128xf32, #tpu.memory_space<vmem>>
    %dma_wait3A_643 = arith.constant 0 : i32
    %dma_wait3A_644 = tpu.memref_slice %arg9[%mul3A_52, %dma_wait3A_643] : memref<16384x128xf32, #tpu.memory_space<hbm>> -> memref<128x128xf32, #tpu.memory_space<hbm>>
    %dma_wait3A_645 = arith.constant 0 : i32
    %dma_wait3A_646 = tpu.memref_slice %arg9[%mul3A_52, %dma_wait3A_645] : memref<16384x128xf32, #tpu.memory_space<hbm>> -> memref<128x128xf32, #tpu.memory_space<hbm>>
    %dma_wait3A_647 = arith.constant 0 : i32
    %dma_wait3A_648 = arith.constant 0 : i32
    %dma_wait3A_649 = tpu.memref_slice %arg11[%dma_wait3A_638, %dma_wait3A_647, %dma_wait3A_648] : memref<7x128x128xf32, #tpu.memory_space<vmem>> -> memref<1x128x128xf32, #tpu.memory_space<vmem>>
    %dma_wait3A_650 = tpu.memref_squeeze %dma_wait3A_649 : memref<1x128x128xf32, #tpu.memory_space<vmem>> -> memref<128x128xf32, #tpu.memory_space<vmem>>
    tpu.wait_dma2 semaphore(%arg24 : memref<!tpu.dma_semaphore, #tpu.memory_space<semaphore_mem>>) src(%dma_wait3A_650 : memref<128x128xf32, #tpu.memory_space<vmem>>) dst(%dma_wait3A_646 : memref<128x128xf32, #tpu.memory_space<hbm>>)
    return
  }
}

</mosaic_0001>

<sc_bundles>
// kernel: kernel.3.cloned.1.call-start
scs
__scs_entry_jumppad:
0x0: {  	(pc) =	sbr.rel $0x88, $3  }
0x1: {  	(tag) =	ssettag $0x0;
	lr =	simm.s32 $0x1  }
0x2: {  	[smem:$0x3F9E] =	sst lr;
	_ =	strace $0xD0000000  }
0x3: {  	_ = 	snop  }
0x4: {  	_ = 	snop  }
0x5: {  	_ = 	snop  }
0x6: {  	_ = 	snop  }
0x7: {  	_ = 	snop  }
__scs_overlays_trampoline_lowered:
0x8: {  	[smem:$0x3FAD] =	sst s0  }
0x9: {  	[smem:$0x3FAE] =	sst s1  }
0xa: {  	[smem:$0x3FAF] =	sst s2  }
0xb: {  	[smem:$0x3FB0] =	sst s3  }
0xc: {  	[smem:$0x3FB1] =	sst s4  }
0xd: {  	[smem:$0x3FB2] =	sst s5  }
0xe: {  	[smem:$0x3FB3] =	sst s6  }
0xf: {  	[smem:$0x3FB4] =	sst s7  }
0x10: {  	[smem:$0x3FB5] =	sst s8  }
0x11: {  	[smem:$0x3FB6] =	sst s9;
	s0 =	simm.s32 @!p0 $0x0  }
0x12: {  	s1 =	sld [smem:$0x3F9C];
	s0 =	simm.s32 @p0 $0x1  }
0x13: {  	[smem:$0x3FB7] =	sst s0;
	s0 =	simm.s32 @!p1 $0x0  }
0x14: {  	s2 =	sld [smem:$0x3F9B];
	s0 =	simm.s32 @p1 $0x1  }
0x15: {  	[smem:$0x3FB8] =	sst s0;
	s0 =	simm.s32 @!p2 $0x0  }
0x16: {  	s3 =	sld [smem:$0x3FDB];
	s0 =	simm.s32 @p2 $0x1  }
0x17: {  	s4 =	simm.s32 $0x1BF5;
	[smem:$0x3FBA] =	sst s0  }
0x18: {  	s0 =	sld [smem:$0x3F9D];
	_ =	swait.ge [sflag:s4], $0x0  }
0x19: {  	s7 =	sld [smem:$0x3F9E]  }
0x1a: {  	s8 =	sadd.s32 $0xFFFFE003, lr  }
0x1b: {  	s9 =	sadd.s32 $0xFFFFFEF7, lr;
	s5 =	simm.s32 $0xFFFFFFFF;
	p2 =	slt.u32 s8, $0xFFFFF086  }
0x1c: {  	p1 =	slt.u32 s9, $0xF7A;
	s5 =	simm.s32 @!p2 $0x0  }
0x1d: {  	s5 =	simm.s32 @p1 $0x1;
	p0 =	seq.s32 s7, s2  }
0x1e: {  	s7 =	smul.u32 @!p0 $0xF7A, s2;
	p2 =	seq.s32 @!p0 s5, $0x0  }
0x1f: {  	s9 =	smul.u32 $0xF7A, s1;
	s8 =	simm.s32 @!p0 $0x1BF5;
	p2 =	por !p2, p0  }
0x20: {  	[sflag:s8] =	ssyncset.s32 @!p0 $0xFFFFF086;
	s6 =	sadd.s32 @!p0 s3, s7;
	s7 =	simm.s32 @!p0 $0x108  }
0x21: {  	s3 =	sadd.s32 s3, s9;
	s6 =	sadd.s32 @!p0 $0x88, s6;
	s7 =	simm.s32 @p2 $0x1082  }
0x22: {  	[simem:s7], [sflag:s8] =	dma.local @!p0 [hbm:s6], $0xF7A  }
0x23: {  	s9 =	sor.u32 $0xD0000000, s2;
	s6 =	simm.s32 $0x108;
	_ =	swait.ge @!p0 [sflag:s8], $0x0  }
0x24: {  	s3 =	sadd.s32 $0x88, s3;
	s6 =	simm.s32 @!p1 $0x1082;
	[sflag:s4] =	ssyncset.s32 $0xFFFFF086  }
0x25: {  	[simem:s6], [sflag:s4] =	dma.local [hbm:s3], $0xF7A  }
0x26: {  	[smem:$0x3F9E] =	sst s1;
	(tag) =	ssettag s2;
	_ =	strace s9  }
0x27: {  	s1 =	sld [smem:$0x3FAE]  }
0x28: {  	s2 =	sld [smem:$0x3FAF]  }
0x29: {  	s4 =	sld [smem:$0x3FB1]  }
0x2a: {  	p0 =	seq.s32 s5, $0x0;
	s5 =	sld [smem:$0x3FB2]  }
0x2b: {  	s6 =	sld [smem:$0x3FB3]  }
0x2c: {  	s7 =	sld [smem:$0x3FB4]  }
0x2d: {  	s3 =	simm.s32 $0x108;
	s8 =	sld [smem:$0x3FB5]  }
0x2e: {  	s3 =	simm.s32 @!p0 $0x1082;
	s9 =	sld [smem:$0x3FB6]  }
0x2f: {  	lr =	sadd.s32 s0, s3;
	s0 =	sld [smem:$0x3FAD]  }
0x30: {  	s3 =	sld [smem:$0x3FB0]  }
0x31: {  	[smem:$0x3FB9] =	sst s10  }
0x32: {  	s10 =	sld [smem:$0x3FB7];
	_ =	sdelay $0x3  }
0x33: {  	p0 =	seq.s32 s10, $0x1;
	s10 =	sld [smem:$0x3FB9];
	_ =	sdelay $0x3  }
0x34: {  	[smem:$0x3FB9] =	sst s10  }
0x35: {  	s10 =	sld [smem:$0x3FB8];
	_ =	sdelay $0x3  }
0x36: {  	p1 =	seq.s32 s10, $0x1;
	s10 =	sld [smem:$0x3FB9];
	_ =	sdelay $0x3  }
0x37: {  	[smem:$0x3FB9] =	sst s10  }
0x38: {  	s10 =	sld [smem:$0x3FBA]  }
0x39: {  	_ = 	snop;
	(pc) =	sbr.ind lr, $3  }
0x3a: {  	_ = 	snop  }
0x3b: {  	_ = 	snop  }
0x3c: {  	p2 =	seq.s32 s10, $0x1;
	s10 =	sld [smem:$0x3FB9]  }
0x3d: {  	_ =	shalt  }
0x3e: {  	_ =	shalt  }
0x3f: {  	_ =	shalt  }
0x40: {  	_ =	shalt  }
0x41: {  	_ =	shalt  }
0x42: {  	_ =	shalt  }
0x43: {  	_ =	shalt  }
0x44: {  	_ =	shalt  }
0x45: {  	_ =	shalt  }
0x46: {  	_ =	shalt  }
0x47: {  	_ =	shalt  }
0x48: {  	_ =	shalt  }
0x49: {  	_ =	shalt  }
0x4a: {  	_ =	shalt  }
0x4b: {  	_ =	shalt  }
0x4c: {  	_ =	shalt  }
0x4d: {  	_ =	shalt  }
0x4e: {  	_ =	shalt  }
0x4f: {  	_ =	shalt  }
0x50: {  	_ =	shalt  }
0x51: {  	_ =	shalt  }
0x52: {  	_ =	shalt  }
0x53: {  	_ =	shalt  }
0x54: {  	_ =	shalt  }
0x55: {  	_ =	shalt  }
0x56: {  	_ =	shalt  }
0x57: {  	_ =	shalt  }
0x58: {  	_ =	shalt  }
0x59: {  	_ =	shalt  }
0x5a: {  	_ =	shalt  }
0x5b: {  	_ =	shalt  }
0x5c: {  	_ =	shalt  }
0x5d: {  	_ =	shalt  }
0x5e: {  	_ =	shalt  }
0x5f: {  	_ =	shalt  }
0x60: {  	_ =	shalt  }
0x61: {  	_ =	shalt  }
0x62: {  	_ =	shalt  }
0x63: {  	_ =	shalt  }
0x64: {  	_ =	shalt  }
0x65: {  	_ =	shalt  }
0x66: {  	_ =	shalt  }
0x67: {  	_ =	shalt  }
0x68: {  	_ =	shalt  }
0x69: {  	_ =	shalt  }
0x6a: {  	_ =	shalt  }
0x6b: {  	_ =	shalt  }
0x6c: {  	_ =	shalt  }
0x6d: {  	_ =	shalt  }
0x6e: {  	_ =	shalt  }
0x6f: {  	_ =	shalt  }
0x70: {  	_ =	shalt  }
0x71: {  	_ =	shalt  }
0x72: {  	_ =	shalt  }
0x73: {  	_ =	shalt  }
0x74: {  	_ =	shalt  }
0x75: {  	_ =	shalt  }
0x76: {  	_ =	shalt  }
0x77: {  	_ =	shalt  }
0x78: {  	_ =	shalt  }
0x79: {  	_ =	shalt  }
0x7a: {  	_ =	shalt  }
0x7b: {  	_ =	shalt  }
0x7c: {  	_ =	shalt  }
0x7d: {  	_ =	shalt  }
0x7e: {  	_ =	shalt  }
0x7f: {  	_ =	shalt  }
0x80: {  	_ =	shalt  }
0x81: {  	_ =	shalt  }
0x82: {  	_ =	shalt  }
0x83: {  	_ =	shalt  }
0x84: {  	_ =	shalt  }
0x85: {  	_ =	shalt  }
0x86: {  	_ =	shalt  }
0x87: {  	_ =	shalt  }
.Lfunc_end0:
.L_simem_size_0:
called_computation_lowered:
.L_overlay_start_0:
0x88: {  	s2 =	sld [smem:$0x3FD9]  }
0x89: {  	s3 =	sld [smem:$0x3FFE];
	_ =	sdelay $0x1  }
0x8a: {  	s1 =	srdreg.scid  }
0x8b: {  	s0 =	sand.u32 $0x1, s1  }
0x8c: {  	s14 =	sshll.u32 s0, $0xA;
	s2 =	sadd.s32 s3, s2  }
0x8d: {  	s2 =	sadd.s32 s2, s14  }
0x8e: {  	[smem:$0x3FC5] =	sst s2  }
0x8f: {  	_ = 	snop  }
0x90: {  	s2 =	sld [smem:$0x3FD0];
	_ =	sdelay $0x1  }
0x91: {  	s15 =	sld [smem:$0x3FC8]  }
0x92: {  	s5 =	simm.s32 $0xA;
	s6 =	simm.s32 $0x10;
	s4 =	sld [smem:$0x3FC7]  }
0x93: {  	[smem:s6], [sflag:s5] =	dma.local [hbm:s2], $0x1  }
0x94: {  	_ =	swait.eq [sflag:s5], $0x1  }
0x95: {  	s16 =	sld [smem:$0x10];
	[sflag:s5] =	ssyncset.done $0x0  }
0x96: {  	s17 =	sld [smem:$0x11];
	[sflag:s5] =	ssyncadd.s32 $0xFFFFFFFF  }
0x97: {  	s18 =	sld [smem:$0x12];
	(tm) =	ssettm $0x1  }
0x98: {  	s7 =	sld [smem:$0x3FFB];
	_ =	sdelay $0x3  }
0x99: {  	_ =	strace s7  }
0x9a: {  	s7 =	sld [smem:$0x3FFC];
	_ =	sdelay $0x3  }
0x9b: {  	_ =	strace s7  }
0x9c: {  	s7 =	sld [smem:$0x3FFD];
	_ =	sdelay $0x3  }
0x9d: {  	_ =	strace s7  }
0x9e: {  	_ =	strace $0x8FFFFFFF  }
0x9f: {  	s19 =	sld [smem:$0x3FDB];
	_ =	sdelay $0x1  }
0xa0: {  	s8 =	simm.s32 $_scs_section_size  }
0xa1: {  	s9 =	simm.s32 $_size__tile_overlayer_lowered;
	s10 =	simm.s32 $_tile_overlayer_lowered  }
0xa2: {  	s22 =	simm.s32 $0x1BFF;
	s21 =	sshll.u32 s10, $0x1;
	s7 =	sadd.s32 s8, s19  }
0xa3: {  	s11 =	simm.s32 $0x0;
	s20 =	sshll.u32 s9, $0x1;
	s9 =	sadd.s32 s21, s7  }
0xa4: {  	[timem:s11], [sflag:s22] =	dma.local [hbm:s9], s20  }
0xa5: {  	_ =	swait.ge [sflag:s22], s20  }
0xa6: {  	s8 =	ssub.s32 $0x0, s20;
	[sflag:s22] =	ssyncset.done $0x0  }
0xa7: {  	[sflag:s22] =	ssyncadd.s32 s8;
	_ =	sdelay $0x1  }
0xa8: {  	s23 =	simm.s32 $0x1B8B  }
0xa9: {  	_ =	swait.ge [sflag:s23], $0x1  }
0xaa: {  	[sflag:s23] =	ssyncset.done $0x0  }
0xab: {  	s25 =	simm.s32 $0x1B8E;
	s24 =	sld [smem:$0x3FFE];
	[sflag:s23] =	ssyncadd.s32 $0xFFFFFFFF  }
0xac: {  	s26 =	simm.s32 $execute0_lowered;
	[smem:$0x3FD2] =	sst s25  }
0xad: {  	s9 =	sshll.u32 s26, $0x1;
	_ =	strace $0x80000046;
	[dreg:$0x1] =	wrdreg $0xFFFFFFFF  }
0xae: {  	s28 =	simm.s32 $_size_execute0_lowered;
	s7 =	sadd.s32 s7, s9;
	[dreg:$0x0] =	wrdreg $0x0  }
0xaf: {  	s9 =	sshll.u32 s28, $0x1;
	[dreg:$0x2] =	wrdreg s7  }
0xb0: {  	[dreg:$0x3] =	wrdreg s9  }
0xb1: {  	[dreg:$0x4] =	wrdreg $0xC0  }
0xb2: {  	_ =	task [dreg:s11], $0x5FFFF  }
0xb3: {  	[dreg:$0x1] =	wrdreg $0xFFFFFFFF  }
0xb4: {  	[dreg:$0x0] =	wrdreg $0x60  }
0xb5: {  	[dreg:$0x2] =	wrdreg s24  }
0xb6: {  	[dreg:$0x3] =	wrdreg s15  }
0xb7: {  	[dreg:$0x4] =	wrdreg s4  }
0xb8: {  	[dreg:$0x5] =	wrdreg s16  }
0xb9: {  	[dreg:$0x6] =	wrdreg s17  }
0xba: {  	[dreg:$0x7] =	wrdreg s18  }
0xbb: {  	[dreg:$0x8] =	wrdreg $0x1C8000  }
0xbc: {  	[dreg:$0x9] =	wrdreg $0x9  }
0xbd: {  	_ =	task.clear_ibuf [dreg:s11], $0xAFFFF;
	_ =	strace $0x90000046  }
0xbe: {  	s29 =	simm.s32 $0x9;
	_ =	strace $0x80000048  }
0xbf: {  	_ =	swait.ge [sflag:s29], $0x1  }
0xc0: {  	[sflag:s29] =	ssyncadd.s32 $0xFFFFFFFF  }
0xc1: {  	_ =	strace $0x90000048  }
0xc2: {  	_ =	sfence  }
0xc3: {  	s30 =	sld [smem:$0x0];
	_ =	sdelay $0x2  }
0xc4: {  	s31 =	sshll.u32 s1, $0xD;
	s1 =	sshrl.u32 s1, $0x2  }
0xc5: {  	s3 =	sand.u32 $0x4000, s31;
	s1 =	sadd.s32 s1, s30  }
0xc6: {  	s0 =	sor.u32 s3, s0;
	s1 =	sshll.u32 s1, $0x11  }
0xc7: {  	s0 =	sor.u32 s1, s0  }
0xc8: {  	s0 =	sadd.s32 $0x8F2B, s0  }
0xc9: {  	[sflag:s0] =	ssyncadd.remote.s32 $0x1  }
0xca: {  	_ =	sfence.sel $0xFFFF  }
0xcb: {  	[dreg:$0x0] =	wrdreg $0xFFFFFFFF;
	(pc) =	sbr.abs _section_cstart, $3  }
0xcc: {  	[dreg:$0x1] =	wrdreg $0xFFFFFFFF  }
0xcd: {  	_ =	task.clear_ibuf [dreg:s11], $0x2FFFF;
	_ =	strace $0x9FFFFFFF  }
0xce: {  	(tm) =	ssettm $0x7FFFFFFF  }
0xcf: {  	_ =	shalt  }
tec
execute0_lowered:
.L_overlay_start_1:
0x0: {  	(tag) =	ssettag $0x1  }
0x1: {  	s0 =	rddreg [dreg:$0x0]  }
0x2: {  	s2 =	rddreg [dreg:$0x1]  }
0x3: {  	s1 =	rddreg [dreg:$0x2]  }
0x4: {  	s4 =	rddreg [dreg:$0x3]  }
0x5: {  	s5 =	rddreg [dreg:$0x4];
	s11 =	srdreg.scid  }
0x6: {  	s6 =	rddreg [dreg:$0x5];
	s7 =	stileid.u32  }
0x7: {  	s3 =	rddreg [dreg:$0x6];
	s29 =	simm.s32 $0xF;
	s30 =	simm.s32 $0x200  }
0x8: {  	s31 =	simm.s32 $0x400;
	s28 =	simm.s32 $0x14800;
	p1 =	por $0x0, $0x0  }
0x9: {  	[dreg:$0x8] =	wrdreg s1;
	s8 =	sand.u32 $0x1, s11;
	s9 =	sshll.u32 s7, $0x7  }
0xa: {  	s1 =	simm.s32 $0x0;
	s13 =	sshll.u32 s7, $0xE;
	s11 =	sshll.u32 s8, $0xD  }
0xb: {  	p0 =	sne.s32 s7, $0x0;
	s10 =	sshll.u32 s8, $0x6;
	s14 =	sor.u32 s11, s13  }
0xc: {  	[smem:$0x7FF] =	sst s1;
	s9 =	sor.u32 s10, s9;
	s15 =	sadd.s32 s4, s14  }
0xd: {  	_ =	strace $0x80000047;
	s16 =	sadd.s32 s5, s14;
	[dreg:$0xc] =	wrdreg s15  }
0xe: {  	s0 =	sadd.s32 s9, s0;
	s17 =	sadd.s32 s6, s14;
	[dreg:$0xd] =	wrdreg s16  }
0xf: {  	s7 =	simm.s32 $0x9;
	s9 =	sadd.s32 $0x1800, s0;
	[dreg:$0xe] =	wrdreg s17  }
0x10: {  	s26 =	ssub.s32 $0x2, s8;
	s12 =	sadd.s32 $0x1000, s0;
	[dreg:$0x9] =	wrdreg s9  }
0x11: {  	s10 =	sor.u32 $0x800, s14;
	s0 =	sadd.s32 $0x800, s0;
	[dreg:$0xa] =	wrdreg s12  }
0x12: {  	s13 =	simm.s32 $0x800;
	s18 =	sadd.s32 s4, s10;
	[dreg:$0xb] =	wrdreg s0  }
0x13: {  	s21 =	sor.u32 $0x1000, s14;
	s19 =	sadd.s32 s5, s10;
	[dreg:$0xf] =	wrdreg s18  }
0x14: {  	s20 =	sadd.s32 s6, s10;
	s22 =	sadd.s32 s4, s21;
	[dreg:$0x10] =	wrdreg s19  }
0x15: {  	s23 =	sadd.s32 s5, s21;
	s24 =	sadd.s32 s6, s21;
	[dreg:$0x11] =	wrdreg s20  }
0x16: {  	s10 =	sshrl.u32 s26, $0x1;
	s17 =	simm.s32 $0x3;
	[dreg:$0x12] =	wrdreg s22  }
0x17: {  	s21 =	simm.s32 $0x300;
	s15 =	simm.s32 $0x4;
	[dreg:$0x13] =	wrdreg s23  }
0x18: {  	s16 =	simm.s32 $0x5;
	s9 =	sor.u32 $0x1800, s14;
	[dreg:$0x14] =	wrdreg s24  }
0x19: {  	s14 =	simm.s32 $0x80;
	s18 =	simm.s32 $0x280;
	s19 =	simm.s32 $0x480  }
0x1a: {  	s20 =	simm.s32 $0x100;
	s23 =	simm.s32 $0x18800;
	[dreg:$0x1b] =	wrdreg s21  }
0x1b: {  	s22 =	simm.s32 $0x500;
	s24 =	simm.s32 $0x180;
	[dreg:$0x18] =	wrdreg s18  }
0x1c: {  	s21 =	simm.s32 $0xD;
	s0 =	sshrl.u32 @!p0 s3, $0x3;
	[dreg:$0x19] =	wrdreg s19  }
0x1d: {  	s25 =	sadd.s32 s4, s9;
	s8 =	sadd.s32 s5, s9;
	[dreg:$0x1a] =	wrdreg s20  }
0x1e: {  	s11 =	sadd.s32 s6, s9;
	s4 =	ssub.s32 s26, s10;
	[dreg:$0x1c] =	wrdreg s22  }
0x1f: {  	s9 =	simm.s32 $0x8800;
	s6 =	simm.s32 $0xC800;
	[dreg:$0x1d] =	wrdreg s24  }
0x20: {  	s26 =	simm.s32 $0x580;
	s22 =	rddreg [dreg:$0x8];
	s12 =	smax.u32 s4, $0x1  }
0x21: {  	s18 =	simm.s32 $0x1;
	[dreg:$0x1f] =	wrdreg s26;
	s26 =	sadd.s32 $0xFFFFFFFF, s12  }
0x22: {  	s19 =	simm.s32 $0x2;
	[smem:$0x7FD] =	sst s0;
	p2 =	sne.s32 s26, $0x0  }
.Ltmp0:
0x23: {  	s5 =	simm.s32 $0x8;
	[dreg:$0x15] =	wrdreg s25;
	(pc) =	sbr.rel @!p2 .LBB2_1-.Ltmp0, $4  }
0x24: {  	s10 =	simm.s32 $0xB;
	s24 =	simm.s32 $0x7;
	[dreg:$0x16] =	wrdreg s8  }
0x25: {  	s20 =	simm.s32 $0xE;
	[dreg:$0x17] =	wrdreg s11;
	s11 =	simm.s32 $0x4800  }
0x26: {  	s4 =	simm.s32 $0x10800;
	s25 =	simm.s32 $0x380;
	s8 =	simm.s32 $0xA  }
0x27: {  	[dreg:$0x1e] =	wrdreg s25;
	s25 =	simm.s32 $0x6;
	s12 =	simm.s32 $0xC  }
0x28: {  	s23 =	sld [smem:$0x7FD];
	_ =	sdelay $0x1  }
0x29: {  	[smem:$0x7FC] =	sst s26;
	s26 =	simm.s32 @!p0 $0x1C0F;
	s0 =	simm.s32 @!p0 $0xF  }
0x2a: {  	[spmem:s23], [sflag:s26] =	dma.local @!p0 [hbm:s22], $0x3E80  }
0x2b: {  	_ =	swait.ge @!p0 [sflag:s0], $0x3E80  }
0x2c: {  	[sflag:s0] =	ssyncset.done @!p0 $0x0  }
0x2d: {  	s28 =	rddreg [dreg:$0x9];
	[sflag:s0] =	ssyncadd.s32 @!p0 $0xFFFFC180  }
0x2e: {  	[tilespmem:s1], [sflag:$0xF] =	stream.linear.gather [hbm4b:s28+s1], $0x200, $0x38;
	[tilespmem:$0x1E740] =	vst v63  }
0x2f: {  	_ =	swait.ge [sflag:s29], $0x200  }
0x30: {  	[sflag:s29] =	ssyncset.done $0x0  }
0x31: {  	s23 =	rddreg [dreg:$0xa];
	[sflag:s29] =	ssyncadd.s32 $0xFFFFFE00  }
0x32: {  	[tilespmem:s30], [sflag:$0xF] =	stream.linear.gather [hbm4b:s23+s1], $0x200, $0x38;
	[tilespmem:$0x1E740] =	vst v63  }
0x33: {  	_ =	swait.ge [sflag:s29], $0x200  }
0x34: {  	[sflag:s29] =	ssyncset.done $0x0  }
0x35: {  	s26 =	rddreg [dreg:$0xb];
	[sflag:s29] =	ssyncadd.s32 $0xFFFFFE00  }
0x36: {  	[tilespmem:s31], [sflag:$0xF] =	stream.linear.gather [hbm4b:s26+s1], $0x200, $0x38;
	[tilespmem:$0x1E740] =	vst v63  }
0x37: {  	_ =	swait.ge [sflag:s29], $0x200  }
0x38: {  	[sflag:s29] =	ssyncset.done $0x0  }
0x39: {  	[sflag:s29] =	ssyncadd.s32 $0xFFFFFE00  }
0x3a: {  	[bflag:$0x0] =	sbarrier.arrive $0xFFFF  }
0x3b: {  	[tilespmem:s13], [sflag:$0x1] =	stream.indirect.gather [hbm4b:s2+s14], $0x80, s1, s14, $0xb8;
	[tilespmem:$0x1E740] =	vst v63  }
0x3c: {  	_ = 	snop  }
0x3d: {  	[tilespmem:s11], [sflag:$0x2] =	stream.indirect.gather [spmem:s3], $0x80, s30, s14, $0xb8;
	[tilespmem:$0x1E740] =	vst v63  }
0x3e: {  	_ = 	snop  }
0x3f: {  	[tilespmem:s9], [sflag:$0x3] =	stream.indirect.gather [hbm4b:s2+s14], $0x80, s31, s14, $0xb8;
	[tilespmem:$0x1E740] =	vst v63  }
0x40: {  	_ = 	snop  }
0x41: {  	[tilespmem:s6], [sflag:$0x4] =	stream.indirect.gather [hbm4b:s2+s14], $0x80, s14, s14, $0xb8;
	[tilespmem:$0x1E740] =	vst v63  }
0x42: {  	s28 =	rddreg [dreg:$0x18]  }
0x43: {  	[tilespmem:s4], [sflag:$0x5] =	stream.indirect.gather [spmem:s3], $0x80, s28, s14, $0xb8;
	[tilespmem:$0x1E740] =	vst v63  }
0x44: {  	_ =	swait.ge [sflag:s18], $0x4000  }
0x45: {  	[sflag:s18] =	ssyncset.done $0x0  }
0x46: {  	s30 =	rddreg [dreg:$0xc];
	[sflag:s18] =	ssyncadd.s32 $0xFFFFC000  }
0x47: {  	[hbm4b:s30+s1] =	stream.linear.scatter [tilespmem:s13], [sflag:$0x8], $0x4000, $0x38;
	[tilespmem:$0x1E740] =	vst v63  }
0x48: {  	s28 =	simm.s32 $0x14800;
	s31 =	rddreg [dreg:$0x19]  }
0x49: {  	[tilespmem:s28], [sflag:$0x6] =	stream.indirect.gather [hbm4b:s2+s14], $0x80, s31, s14, $0xb8;
	[tilespmem:$0x1E740] =	vst v63  }
0x4a: {  	_ =	swait.ge [sflag:s19], $0x4000  }
0x4b: {  	[sflag:s19] =	ssyncset.done $0x0  }
0x4c: {  	s30 =	rddreg [dreg:$0xd];
	[sflag:s19] =	ssyncadd.s32 $0xFFFFC000  }
0x4d: {  	[hbm4b:s30+s1] =	stream.linear.scatter [tilespmem:s11], [sflag:$0x9], $0x4000, $0x38;
	[tilespmem:$0x1E740] =	vst v63  }
0x4e: {  	s23 =	simm.s32 $0x18800;
	s31 =	rddreg [dreg:$0x1a]  }
0x4f: {  	[tilespmem:s23], [sflag:$0x7] =	stream.indirect.gather [hbm4b:s2+s14], $0x80, s31, s14, $0xb8;
	[tilespmem:$0x1E740] =	vst v63  }
0x50: {  	_ =	swait.ge [sflag:s17], $0x4000  }
0x51: {  	[sflag:s17] =	ssyncset.done $0x0  }
0x52: {  	s30 =	rddreg [dreg:$0xe];
	[sflag:s17] =	ssyncadd.s32 $0xFFFFC000  }
0x53: {  	[hbm4b:s30+s1] =	stream.linear.scatter [tilespmem:s9], [sflag:$0xA], $0x4000, $0x38;
	[tilespmem:$0x1E740] =	vst v63  }
0x54: {  	_ =	swait.ge [sflag:s5], $0x4000  }
0x55: {  	[sflag:s5] =	ssyncset.done $0x0  }
0x56: {  	s30 =	rddreg [dreg:$0x1b];
	[sflag:s5] =	ssyncadd.s32 $0xFFFFC000  }
0x57: {  	[tilespmem:s13], [sflag:$0x1] =	stream.indirect.gather [spmem:s3], $0x80, s30, s14, $0xb8;
	[tilespmem:$0x1E740] =	vst v63  }
0x58: {  	_ =	swait.ge [sflag:s15], $0x4000  }
0x59: {  	[sflag:s15] =	ssyncset.done $0x0  }
0x5a: {  	s30 =	rddreg [dreg:$0xf];
	[sflag:s15] =	ssyncadd.s32 $0xFFFFC000  }
0x5b: {  	[hbm4b:s30+s1] =	stream.linear.scatter [tilespmem:s6], [sflag:$0xB], $0x4000, $0x38;
	[tilespmem:$0x1E740] =	vst v63  }
0x5c: {  	_ =	swait.ge [sflag:s7], $0x4000  }
0x5d: {  	[sflag:s7] =	ssyncset.done $0x0  }
0x5e: {  	s30 =	rddreg [dreg:$0x1c];
	[sflag:s7] =	ssyncadd.s32 $0xFFFFC000  }
0x5f: {  	[tilespmem:s11], [sflag:$0x2] =	stream.indirect.gather [hbm4b:s2+s14], $0x80, s30, s14, $0xb8;
	[tilespmem:$0x1E740] =	vst v63  }
0x60: {  	_ =	swait.ge [sflag:s16], $0x4000  }
0x61: {  	[sflag:s16] =	ssyncset.done $0x0  }
0x62: {  	s30 =	rddreg [dreg:$0x10];
	[sflag:s16] =	ssyncadd.s32 $0xFFFFC000  }
0x63: {  	[hbm4b:s30+s1] =	stream.linear.scatter [tilespmem:s4], [sflag:$0xC], $0x4000, $0x38;
	[tilespmem:$0x1E740] =	vst v63  }
0x64: {  	_ =	swait.ge [sflag:s8], $0x4000  }
0x65: {  	[sflag:s8] =	ssyncset.done $0x0  }
0x66: {  	s30 =	rddreg [dreg:$0x1d];
	[sflag:s8] =	ssyncadd.s32 $0xFFFFC000  }
0x67: {  	[tilespmem:s9], [sflag:$0x3] =	stream.indirect.gather [hbm4b:s2+s14], $0x80, s30, s14, $0xb8;
	[tilespmem:$0x1E740] =	vst v63  }
0x68: {  	_ =	swait.ge [sflag:s25], $0x4000  }
0x69: {  	[sflag:s25] =	ssyncset.done $0x0  }
0x6a: {  	s30 =	rddreg [dreg:$0x11];
	[sflag:s25] =	ssyncadd.s32 $0xFFFFC000  }
0x6b: {  	[hbm4b:s30+s1] =	stream.linear.scatter [tilespmem:s28], [sflag:$0xD], $0x4000, $0x38;
	[tilespmem:$0x1E740] =	vst v63  }
0x6c: {  	_ =	swait.ge [sflag:s10], $0x4000  }
0x6d: {  	[sflag:s10] =	ssyncset.done $0x0  }
0x6e: {  	s30 =	rddreg [dreg:$0x1e];
	[sflag:s10] =	ssyncadd.s32 $0xFFFFC000  }
0x6f: {  	[tilespmem:s6], [sflag:$0x4] =	stream.indirect.gather [spmem:s3], $0x80, s30, s14, $0xb8;
	[tilespmem:$0x1E740] =	vst v63  }
0x70: {  	_ =	swait.ge [sflag:s24], $0x4000  }
0x71: {  	[sflag:s24] =	ssyncset.done $0x0  }
0x72: {  	s28 =	rddreg [dreg:$0x12];
	[sflag:s24] =	ssyncadd.s32 $0xFFFFC000  }
0x73: {  	[hbm4b:s28+s1] =	stream.linear.scatter [tilespmem:s23], [sflag:$0xE], $0x4000, $0x38;
	[tilespmem:$0x1E740] =	vst v63  }
0x74: {  	_ =	swait.ge [sflag:s12], $0x4000  }
0x75: {  	[sflag:s12] =	ssyncset.done $0x0  }
0x76: {  	s30 =	rddreg [dreg:$0x1f];
	[sflag:s12] =	ssyncadd.s32 $0xFFFFC000  }
0x77: {  	[tilespmem:s4], [sflag:$0x5] =	stream.indirect.gather [hbm4b:s2+s14], $0x80, s30, s14, $0xb8;
	[tilespmem:$0x1E740] =	vst v63  }
0x78: {  	_ =	swait.ge [sflag:s18], $0x4000  }
0x79: {  	[sflag:s18] =	ssyncset.done $0x0  }
0x7a: {  	s23 =	rddreg [dreg:$0x13];
	[sflag:s18] =	ssyncadd.s32 $0xFFFFC000  }
0x7b: {  	[hbm4b:s23+s1] =	stream.linear.scatter [tilespmem:s13], [sflag:$0x8], $0x4000, $0x38;
	[tilespmem:$0x1E740] =	vst v63  }
0x7c: {  	_ =	swait.ge [sflag:s19], $0x4000  }
0x7d: {  	[sflag:s19] =	ssyncset.done $0x0  }
0x7e: {  	s28 =	rddreg [dreg:$0x14];
	[sflag:s19] =	ssyncadd.s32 $0xFFFFC000  }
0x7f: {  	[hbm4b:s28+s1] =	stream.linear.scatter [tilespmem:s11], [sflag:$0x9], $0x4000, $0x38;
	[tilespmem:$0x1E740] =	vst v63  }
0x80: {  	_ =	swait.ge [sflag:s17], $0x4000  }
0x81: {  	[sflag:s17] =	ssyncset.done $0x0  }
0x82: {  	s30 =	rddreg [dreg:$0x15];
	[sflag:s17] =	ssyncadd.s32 $0xFFFFC000  }
0x83: {  	[hbm4b:s30+s1] =	stream.linear.scatter [tilespmem:s9], [sflag:$0xA], $0x4000, $0x38;
	[tilespmem:$0x1E740] =	vst v63  }
0x84: {  	_ =	swait.ge [sflag:s15], $0x4000  }
0x85: {  	[sflag:s15] =	ssyncset.done $0x0  }
0x86: {  	s23 =	rddreg [dreg:$0x16];
	[sflag:s15] =	ssyncadd.s32 $0xFFFFC000  }
0x87: {  	[hbm4b:s23+s1] =	stream.linear.scatter [tilespmem:s6], [sflag:$0xB], $0x4000, $0x38;
	[tilespmem:$0x1E740] =	vst v63  }
0x88: {  	_ =	swait.ge [sflag:s16], $0x4000  }
0x89: {  	[sflag:s16] =	ssyncset.done $0x0  }
0x8a: {  	s28 =	rddreg [dreg:$0x17];
	[sflag:s16] =	ssyncadd.s32 $0xFFFFC000  }
0x8b: {  	[hbm4b:s28+s1] =	stream.linear.scatter [tilespmem:s4], [sflag:$0xC], $0x4000, $0x38;
	[tilespmem:$0x1E740] =	vst v63  }
0x8c: {  	_ =	swait.ge [sflag:s21], $0x4000  }
0x8d: {  	[sflag:s21] =	ssyncset.done $0x0  }
0x8e: {  	[sflag:s21] =	ssyncadd.s32 $0xFFFFC000  }
0x8f: {  	_ =	swait.ge [sflag:s20], $0x4000  }
0x90: {  	[sflag:s20] =	ssyncset.done $0x0  }
0x91: {  	[sflag:s20] =	ssyncadd.s32 $0xFFFFC000  }
0x92: {  	_ =	swait.ge [sflag:s5], $0x4000  }
0x93: {  	[sflag:s5] =	ssyncset.done $0x0  }
0x94: {  	[sflag:s5] =	ssyncadd.s32 $0xFFFFC000  }
0x95: {  	_ =	swait.ge [sflag:s7], $0x4000  }
0x96: {  	[sflag:s7] =	ssyncset.done $0x0  }
0x97: {  	[sflag:s7] =	ssyncadd.s32 $0xFFFFC000  }
0x98: {  	_ =	swait.ge [sflag:s8], $0x4000  }
0x99: {  	[sflag:s8] =	ssyncset.done $0x0  }
0x9a: {  	[sflag:s8] =	ssyncadd.s32 $0xFFFFC000  }
0x9b: {  	_ =	swait.ge [sflag:s10], $0x4000  }
0x9c: {  	s30 =	sld [smem:$0x7FC];
	_ =	sdelay $0x2  }
0x9d: {  	s31 =	sadd.s32 $0xFFFFFFFF, s30  }
0x9e: {  	p2 =	sne.s32 s31, $0x0  }
.Ltmp1:
0x9f: {  	_ = 	snop;
	(pc) =	sbr.rel @!p2 .LBB2_7-.Ltmp1, $4  }
0xa0: {  	[sflag:s10] =	ssyncset.done $0x0  }
0xa1: {  	[sflag:s10] =	ssyncadd.s32 $0xFFFFC000  }
0xa2: {  	p1 =	por $0x1, $0x1;
	_ =	swait.ge [sflag:s12], $0x4000  }
0xa3: {  	s26 =	simm.s32 $0x400;
	s22 =	rddreg [dreg:$0x8];
	[sflag:s12] =	ssyncset.done $0x0  }
0xa4: {  	s30 =	simm.s32 $0x14800  }
.LBB2_4:
0xa5: {  	s23 =	sld [smem:$0x7FD];
	_ =	sdelay $0x1  }
0xa6: {  	[sflag:s12] =	ssyncadd.s32 $0xFFFFC000;
	s28 =	simm.s32 @!p0 $0x1C0F  }
0xa7: {  	[spmem:s23], [sflag:s28] =	dma.local @!p0 [hbm:s22], $0x3E80  }
0xa8: {  	_ =	swait.ge @!p0 [sflag:s0], $0x3E80  }
0xa9: {  	[sflag:s0] =	ssyncset.done @!p0 $0x0  }
0xaa: {  	s23 =	rddreg [dreg:$0x9];
	[sflag:s0] =	ssyncadd.s32 @!p0 $0xFFFFC180  }
0xab: {  	[tilespmem:s1], [sflag:$0xF] =	stream.linear.gather [hbm4b:s23+s1], $0x200, $0x38;
	[tilespmem:$0x1E740] =	vst v63  }
0xac: {  	_ =	swait.ge [sflag:s29], $0x200  }
0xad: {  	[sflag:s29] =	ssyncset.done $0x0  }
0xae: {  	s23 =	simm.s32 $0x200;
	s28 =	rddreg [dreg:$0xa];
	[sflag:s29] =	ssyncadd.s32 $0xFFFFFE00  }
0xaf: {  	[tilespmem:s23], [sflag:$0xF] =	stream.linear.gather [hbm4b:s28+s1], $0x200, $0x38;
	[tilespmem:$0x1E740] =	vst v63  }
0xb0: {  	_ =	swait.ge [sflag:s29], $0x200  }
0xb1: {  	[sflag:s29] =	ssyncset.done $0x0  }
0xb2: {  	s28 =	rddreg [dreg:$0xb];
	[sflag:s29] =	ssyncadd.s32 $0xFFFFFE00  }
0xb3: {  	[tilespmem:s26], [sflag:$0xF] =	stream.linear.gather [hbm4b:s28+s1], $0x200, $0x38;
	[tilespmem:$0x1E740] =	vst v63  }
0xb4: {  	_ =	swait.ge [sflag:s29], $0x200  }
0xb5: {  	[sflag:s29] =	ssyncset.done $0x0  }
0xb6: {  	[sflag:s29] =	ssyncadd.s32 $0xFFFFFE00  }
0xb7: {  	[bflag:$0x0] =	sbarrier.arrive $0xFFFF  }
0xb8: {  	[tilespmem:s13], [sflag:$0x1] =	stream.indirect.gather [hbm4b:s2+s14], $0x80, s1, s14, $0xb8;
	[tilespmem:$0x1E740] =	vst v63  }
0xb9: {  	_ = 	snop  }
0xba: {  	[tilespmem:s11], [sflag:$0x2] =	stream.indirect.gather [spmem:s3], $0x80, s23, s14, $0xb8;
	[tilespmem:$0x1E740] =	vst v63  }
0xbb: {  	_ = 	snop  }
0xbc: {  	[tilespmem:s9], [sflag:$0x3] =	stream.indirect.gather [hbm4b:s2+s14], $0x80, s26, s14, $0xb8;
	[tilespmem:$0x1E740] =	vst v63  }
0xbd: {  	_ = 	snop  }
0xbe: {  	[tilespmem:s6], [sflag:$0x4] =	stream.indirect.gather [hbm4b:s2+s14], $0x80, s14, s14, $0xb8;
	[tilespmem:$0x1E740] =	vst v63  }
0xbf: {  	s28 =	rddreg [dreg:$0x18]  }
0xc0: {  	[tilespmem:s4], [sflag:$0x5] =	stream.indirect.gather [spmem:s3], $0x80, s28, s14, $0xb8;
	[tilespmem:$0x1E740] =	vst v63  }
0xc1: {  	_ =	swait.ge [sflag:s18], $0x4000  }
0xc2: {  	[sflag:s18] =	ssyncset.done $0x0  }
0xc3: {  	s23 =	rddreg [dreg:$0xc];
	[sflag:s18] =	ssyncadd.s32 $0xFFFFC000  }
0xc4: {  	[hbm4b:s23+s1] =	stream.linear.scatter [tilespmem:s13], [sflag:$0x8], $0x4000, $0x38;
	[tilespmem:$0x1E740] =	vst v63  }
0xc5: {  	s28 =	rddreg [dreg:$0x19]  }
0xc6: {  	[tilespmem:s30], [sflag:$0x6] =	stream.indirect.gather [hbm4b:s2+s14], $0x80, s28, s14, $0xb8;
	[tilespmem:$0x1E740] =	vst v63  }
0xc7: {  	_ =	swait.ge [sflag:s19], $0x4000  }
0xc8: {  	[sflag:s19] =	ssyncset.done $0x0  }
0xc9: {  	s28 =	rddreg [dreg:$0xd];
	[sflag:s19] =	ssyncadd.s32 $0xFFFFC000  }
0xca: {  	[hbm4b:s28+s1] =	stream.linear.scatter [tilespmem:s11], [sflag:$0x9], $0x4000, $0x38;
	[tilespmem:$0x1E740] =	vst v63  }
0xcb: {  	s23 =	rddreg [dreg:$0x1a];
	s28 =	simm.s32 $0x18800  }
0xcc: {  	[tilespmem:s28], [sflag:$0x7] =	stream.indirect.gather [hbm4b:s2+s14], $0x80, s23, s14, $0xb8;
	[tilespmem:$0x1E740] =	vst v63  }
0xcd: {  	_ =	swait.ge [sflag:s17], $0x4000  }
0xce: {  	[sflag:s17] =	ssyncset.done $0x0  }
0xcf: {  	s23 =	rddreg [dreg:$0xe];
	[sflag:s17] =	ssyncadd.s32 $0xFFFFC000  }
0xd0: {  	[hbm4b:s23+s1] =	stream.linear.scatter [tilespmem:s9], [sflag:$0xA], $0x4000, $0x38;
	[tilespmem:$0x1E740] =	vst v63  }
0xd1: {  	_ =	swait.ge [sflag:s5], $0x4000  }
0xd2: {  	[sflag:s5] =	ssyncset.done $0x0  }
0xd3: {  	s23 =	rddreg [dreg:$0x1b];
	[sflag:s5] =	ssyncadd.s32 $0xFFFFC000  }
0xd4: {  	[tilespmem:s13], [sflag:$0x1] =	stream.indirect.gather [spmem:s3], $0x80, s23, s14, $0xb8;
	[tilespmem:$0x1E740] =	vst v63  }
0xd5: {  	_ =	swait.ge [sflag:s15], $0x4000  }
0xd6: {  	[sflag:s15] =	ssyncset.done $0x0  }
0xd7: {  	s23 =	rddreg [dreg:$0xf];
	[sflag:s15] =	ssyncadd.s32 $0xFFFFC000  }
0xd8: {  	[hbm4b:s23+s1] =	stream.linear.scatter [tilespmem:s6], [sflag:$0xB], $0x4000, $0x38;
	[tilespmem:$0x1E740] =	vst v63  }
0xd9: {  	_ =	swait.ge [sflag:s7], $0x4000  }
0xda: {  	[sflag:s7] =	ssyncset.done $0x0  }
0xdb: {  	s23 =	rddreg [dreg:$0x1c];
	[sflag:s7] =	ssyncadd.s32 $0xFFFFC000  }
0xdc: {  	[tilespmem:s11], [sflag:$0x2] =	stream.indirect.gather [hbm4b:s2+s14], $0x80, s23, s14, $0xb8;
	[tilespmem:$0x1E740] =	vst v63  }
0xdd: {  	_ =	swait.ge [sflag:s16], $0x4000  }
0xde: {  	[sflag:s16] =	ssyncset.done $0x0  }
0xdf: {  	s23 =	rddreg [dreg:$0x10];
	[sflag:s16] =	ssyncadd.s32 $0xFFFFC000  }
0xe0: {  	[hbm4b:s23+s1] =	stream.linear.scatter [tilespmem:s4], [sflag:$0xC], $0x4000, $0x38;
	[tilespmem:$0x1E740] =	vst v63  }
0xe1: {  	_ =	swait.ge [sflag:s8], $0x4000  }
0xe2: {  	[sflag:s8] =	ssyncset.done $0x0  }
0xe3: {  	s23 =	rddreg [dreg:$0x1d];
	[sflag:s8] =	ssyncadd.s32 $0xFFFFC000  }
0xe4: {  	[tilespmem:s9], [sflag:$0x3] =	stream.indirect.gather [hbm4b:s2+s14], $0x80, s23, s14, $0xb8;
	[tilespmem:$0x1E740] =	vst v63  }
0xe5: {  	_ =	swait.ge [sflag:s25], $0x4000  }
0xe6: {  	[sflag:s25] =	ssyncset.done $0x0  }
0xe7: {  	s23 =	rddreg [dreg:$0x11];
	[sflag:s25] =	ssyncadd.s32 $0xFFFFC000  }
0xe8: {  	[hbm4b:s23+s1] =	stream.linear.scatter [tilespmem:s30], [sflag:$0xD], $0x4000, $0x38;
	[tilespmem:$0x1E740] =	vst v63  }
0xe9: {  	_ =	swait.ge [sflag:s10], $0x4000  }
0xea: {  	[sflag:s10] =	ssyncset.done $0x0  }
0xeb: {  	s23 =	rddreg [dreg:$0x1e];
	[sflag:s10] =	ssyncadd.s32 $0xFFFFC000  }
0xec: {  	[tilespmem:s6], [sflag:$0x4] =	stream.indirect.gather [spmem:s3], $0x80, s23, s14, $0xb8;
	[tilespmem:$0x1E740] =	vst v63  }
0xed: {  	_ =	swait.ge [sflag:s24], $0x4000  }
0xee: {  	[sflag:s24] =	ssyncset.done $0x0  }
0xef: {  	s23 =	rddreg [dreg:$0x12];
	[sflag:s24] =	ssyncadd.s32 $0xFFFFC000  }
0xf0: {  	[hbm4b:s23+s1] =	stream.linear.scatter [tilespmem:s28], [sflag:$0xE], $0x4000, $0x38;
	[tilespmem:$0x1E740] =	vst v63  }
0xf1: {  	_ =	swait.ge [sflag:s12], $0x4000  }
0xf2: {  	[sflag:s12] =	ssyncset.done $0x0  }
0xf3: {  	s23 =	rddreg [dreg:$0x1f];
	[sflag:s12] =	ssyncadd.s32 $0xFFFFC000  }
0xf4: {  	[tilespmem:s4], [sflag:$0x5] =	stream.indirect.gather [hbm4b:s2+s14], $0x80, s23, s14, $0xb8;
	[tilespmem:$0x1E740] =	vst v63  }
0xf5: {  	_ =	swait.ge [sflag:s18], $0x4000  }
0xf6: {  	[sflag:s18] =	ssyncset.done $0x0  }
0xf7: {  	s28 =	rddreg [dreg:$0x13];
	[sflag:s18] =	ssyncadd.s32 $0xFFFFC000  }
0xf8: {  	[hbm4b:s28+s1] =	stream.linear.scatter [tilespmem:s13], [sflag:$0x8], $0x4000, $0x38;
	[tilespmem:$0x1E740] =	vst v63  }
0xf9: {  	_ =	swait.ge [sflag:s19], $0x4000  }
0xfa: {  	[sflag:s19] =	ssyncset.done $0x0  }
0xfb: {  	s23 =	rddreg [dreg:$0x14];
	[sflag:s19] =	ssyncadd.s32 $0xFFFFC000  }
0xfc: {  	[hbm4b:s23+s1] =	stream.linear.scatter [tilespmem:s11], [sflag:$0x9], $0x4000, $0x38;
	[tilespmem:$0x1E740] =	vst v63  }
0xfd: {  	_ =	swait.ge [sflag:s17], $0x4000  }
0xfe: {  	[sflag:s17] =	ssyncset.done $0x0  }
0xff: {  	s28 =	rddreg [dreg:$0x15];
	[sflag:s17] =	ssyncadd.s32 $0xFFFFC000  }
0x100: {  	[hbm4b:s28+s1] =	stream.linear.scatter [tilespmem:s9], [sflag:$0xA], $0x4000, $0x38;
	[tilespmem:$0x1E740] =	vst v63  }
0x101: {  	_ =	swait.ge [sflag:s15], $0x4000  }
0x102: {  	[sflag:s15] =	ssyncset.done $0x0  }
0x103: {  	s23 =	rddreg [dreg:$0x16];
	[sflag:s15] =	ssyncadd.s32 $0xFFFFC000  }
0x104: {  	[hbm4b:s23+s1] =	stream.linear.scatter [tilespmem:s6], [sflag:$0xB], $0x4000, $0x38;
	[tilespmem:$0x1E740] =	vst v63  }
0x105: {  	_ =	swait.ge [sflag:s16], $0x4000  }
0x106: {  	[sflag:s16] =	ssyncset.done $0x0  }
0x107: {  	s28 =	rddreg [dreg:$0x17];
	[sflag:s16] =	ssyncadd.s32 $0xFFFFC000  }
0x108: {  	[hbm4b:s28+s1] =	stream.linear.scatter [tilespmem:s4], [sflag:$0xC], $0x4000, $0x38;
	[tilespmem:$0x1E740] =	vst v63  }
0x109: {  	_ =	swait.ge [sflag:s21], $0x4000  }
0x10a: {  	[sflag:s21] =	ssyncset.done $0x0  }
0x10b: {  	[sflag:s21] =	ssyncadd.s32 $0xFFFFC000  }
0x10c: {  	_ =	swait.ge [sflag:s20], $0x4000  }
0x10d: {  	[sflag:s20] =	ssyncset.done $0x0  }
0x10e: {  	[sflag:s20] =	ssyncadd.s32 $0xFFFFC000  }
0x10f: {  	_ =	swait.ge [sflag:s5], $0x4000  }
0x110: {  	[sflag:s5] =	ssyncset.done $0x0  }
0x111: {  	[sflag:s5] =	ssyncadd.s32 $0xFFFFC000  }
0x112: {  	_ =	swait.ge [sflag:s7], $0x4000  }
0x113: {  	[sflag:s7] =	ssyncset.done $0x0  }
0x114: {  	[sflag:s7] =	ssyncadd.s32 $0xFFFFC000  }
0x115: {  	_ =	swait.ge [sflag:s8], $0x4000  }
0x116: {  	s31 =	sadd.s32 $0xFFFFFFFF, s31;
	[sflag:s8] =	ssyncset.done $0x0  }
0x117: {  	p2 =	sne.s32 s31, $0x0;
	[sflag:s8] =	ssyncadd.s32 $0xFFFFC000  }
.Ltmp2:
0x118: {  	_ =	swait.ge [sflag:s10], $0x4000;
	(pc) =	sbr.rel @p2 .LBB2_4-.Ltmp2, $4  }
0x119: {  	[sflag:s10] =	ssyncset.done $0x0  }
0x11a: {  	[sflag:s10] =	ssyncadd.s32 $0xFFFFC000  }
0x11b: {  	_ =	swait.ge [sflag:s12], $0x4000  }
0x11c: {  	s22 =	rddreg [dreg:$0x8];
	[sflag:s12] =	ssyncset.done $0x0  }
0x11d: {  	s26 =	sld [smem:$0x7FD];
	s23 =	simm.s32 $0x18800  }
0x11e: {  	s28 =	simm.s32 $0x14800;
	s30 =	simm.s32 $0x200;
	s31 =	simm.s32 $0x400  }
.LBB2_6:
0x11f: {  	[sflag:s12] =	ssyncadd.s32 @p1 $0xFFFFC000;
	s0 =	simm.s32 @!p0 $0x1C0F  }
0x120: {  	[spmem:s26], [sflag:s0] =	dma.local @!p0 [hbm:s22], $0x3E80  }
0x121: {  	s0 =	simm.s32 @!p0 $0xF  }
0x122: {  	_ =	swait.ge @!p0 [sflag:s0], $0x3E80  }
0x123: {  	[sflag:s0] =	ssyncset.done @!p0 $0x0  }
0x124: {  	s26 =	rddreg [dreg:$0x9];
	[sflag:s0] =	ssyncadd.s32 @!p0 $0xFFFFC180  }
0x125: {  	[tilespmem:s1], [sflag:$0xF] =	stream.linear.gather [hbm4b:s26+s1], $0x200, $0x38;
	[tilespmem:$0x1E740] =	vst v63  }
0x126: {  	_ =	swait.ge [sflag:s29], $0x200  }
0x127: {  	[sflag:s29] =	ssyncset.done $0x0  }
0x128: {  	s22 =	rddreg [dreg:$0xa];
	[sflag:s29] =	ssyncadd.s32 $0xFFFFFE00  }
0x129: {  	[tilespmem:s30], [sflag:$0xF] =	stream.linear.gather [hbm4b:s22+s1], $0x200, $0x38;
	[tilespmem:$0x1E740] =	vst v63  }
0x12a: {  	_ =	swait.ge [sflag:s29], $0x200  }
0x12b: {  	[sflag:s29] =	ssyncset.done $0x0  }
0x12c: {  	s26 =	rddreg [dreg:$0xb];
	[sflag:s29] =	ssyncadd.s32 $0xFFFFFE00  }
0x12d: {  	[tilespmem:s31], [sflag:$0xF] =	stream.linear.gather [hbm4b:s26+s1], $0x200, $0x38;
	[tilespmem:$0x1E740] =	vst v63  }
0x12e: {  	_ =	swait.ge [sflag:s29], $0x200  }
0x12f: {  	[sflag:s29] =	ssyncset.done $0x0  }
0x130: {  	[sflag:s29] =	ssyncadd.s32 $0xFFFFFE00  }
0x131: {  	[bflag:$0x0] =	sbarrier.arrive $0xFFFF  }
0x132: {  	[tilespmem:s13], [sflag:$0x1] =	stream.indirect.gather [hbm4b:s2+s14], $0x80, s1, s14, $0xb8;
	[tilespmem:$0x1E740] =	vst v63  }
0x133: {  	_ = 	snop  }
0x134: {  	[tilespmem:s11], [sflag:$0x2] =	stream.indirect.gather [spmem:s3], $0x80, s30, s14, $0xb8;
	[tilespmem:$0x1E740] =	vst v63  }
0x135: {  	_ = 	snop  }
0x136: {  	[tilespmem:s9], [sflag:$0x3] =	stream.indirect.gather [hbm4b:s2+s14], $0x80, s31, s14, $0xb8;
	[tilespmem:$0x1E740] =	vst v63  }
0x137: {  	_ = 	snop  }
0x138: {  	[tilespmem:s6], [sflag:$0x4] =	stream.indirect.gather [hbm4b:s2+s14], $0x80, s14, s14, $0xb8;
	[tilespmem:$0x1E740] =	vst v63  }
0x139: {  	s29 =	rddreg [dreg:$0x18]  }
0x13a: {  	[tilespmem:s4], [sflag:$0x5] =	stream.indirect.gather [spmem:s3], $0x80, s29, s14, $0xb8;
	[tilespmem:$0x1E740] =	vst v63  }
0x13b: {  	_ =	swait.ge [sflag:s18], $0x4000  }
0x13c: {  	[sflag:s18] =	ssyncset.done $0x0  }
0x13d: {  	s30 =	rddreg [dreg:$0xc];
	[sflag:s18] =	ssyncadd.s32 $0xFFFFC000  }
0x13e: {  	[hbm4b:s30+s1] =	stream.linear.scatter [tilespmem:s13], [sflag:$0x8], $0x4000, $0x38;
	[tilespmem:$0x1E740] =	vst v63  }
0x13f: {  	s31 =	rddreg [dreg:$0x19]  }
0x140: {  	[tilespmem:s28], [sflag:$0x6] =	stream.indirect.gather [hbm4b:s2+s14], $0x80, s31, s14, $0xb8;
	[tilespmem:$0x1E740] =	vst v63  }
0x141: {  	_ =	swait.ge [sflag:s19], $0x4000  }
0x142: {  	[sflag:s19] =	ssyncset.done $0x0  }
0x143: {  	s22 =	rddreg [dreg:$0xd];
	[sflag:s19] =	ssyncadd.s32 $0xFFFFC000  }
0x144: {  	[hbm4b:s22+s1] =	stream.linear.scatter [tilespmem:s11], [sflag:$0x9], $0x4000, $0x38;
	[tilespmem:$0x1E740] =	vst v63  }
0x145: {  	s26 =	rddreg [dreg:$0x1a]  }
0x146: {  	[tilespmem:s23], [sflag:$0x7] =	stream.indirect.gather [hbm4b:s2+s14], $0x80, s26, s14, $0xb8;
	[tilespmem:$0x1E740] =	vst v63  }
0x147: {  	_ =	swait.ge [sflag:s17], $0x4000  }
0x148: {  	[sflag:s17] =	ssyncset.done $0x0  }
0x149: {  	s29 =	rddreg [dreg:$0xe];
	[sflag:s17] =	ssyncadd.s32 $0xFFFFC000  }
0x14a: {  	[hbm4b:s29+s1] =	stream.linear.scatter [tilespmem:s9], [sflag:$0xA], $0x4000, $0x38;
	[tilespmem:$0x1E740] =	vst v63  }
0x14b: {  	_ =	swait.ge [sflag:s5], $0x4000  }
0x14c: {  	[sflag:s5] =	ssyncset.done $0x0  }
0x14d: {  	s30 =	rddreg [dreg:$0x1b];
	[sflag:s5] =	ssyncadd.s32 $0xFFFFC000  }
0x14e: {  	[tilespmem:s13], [sflag:$0x1] =	stream.indirect.gather [spmem:s3], $0x80, s30, s14, $0xb8;
	[tilespmem:$0x1E740] =	vst v63  }
0x14f: {  	_ =	swait.ge [sflag:s15], $0x4000  }
0x150: {  	[sflag:s15] =	ssyncset.done $0x0  }
0x151: {  	s31 =	rddreg [dreg:$0xf];
	[sflag:s15] =	ssyncadd.s32 $0xFFFFC000  }
0x152: {  	[hbm4b:s31+s1] =	stream.linear.scatter [tilespmem:s6], [sflag:$0xB], $0x4000, $0x38;
	[tilespmem:$0x1E740] =	vst v63  }
0x153: {  	_ =	swait.ge [sflag:s7], $0x4000  }
0x154: {  	[sflag:s7] =	ssyncset.done $0x0  }
0x155: {  	s22 =	rddreg [dreg:$0x1c];
	[sflag:s7] =	ssyncadd.s32 $0xFFFFC000  }
0x156: {  	[tilespmem:s11], [sflag:$0x2] =	stream.indirect.gather [hbm4b:s2+s14], $0x80, s22, s14, $0xb8;
	[tilespmem:$0x1E740] =	vst v63  }
0x157: {  	_ =	swait.ge [sflag:s16], $0x4000  }
0x158: {  	[sflag:s16] =	ssyncset.done $0x0  }
0x159: {  	s26 =	rddreg [dreg:$0x10];
	[sflag:s16] =	ssyncadd.s32 $0xFFFFC000  }
0x15a: {  	[hbm4b:s26+s1] =	stream.linear.scatter [tilespmem:s4], [sflag:$0xC], $0x4000, $0x38;
	[tilespmem:$0x1E740] =	vst v63  }
0x15b: {  	_ =	swait.ge [sflag:s8], $0x4000  }
0x15c: {  	[sflag:s8] =	ssyncset.done $0x0  }
0x15d: {  	s29 =	rddreg [dreg:$0x1d];
	[sflag:s8] =	ssyncadd.s32 $0xFFFFC000  }
0x15e: {  	[tilespmem:s9], [sflag:$0x3] =	stream.indirect.gather [hbm4b:s2+s14], $0x80, s29, s14, $0xb8;
	[tilespmem:$0x1E740] =	vst v63  }
0x15f: {  	_ =	swait.ge [sflag:s25], $0x4000  }
0x160: {  	[sflag:s25] =	ssyncset.done $0x0  }
0x161: {  	s30 =	rddreg [dreg:$0x11];
	[sflag:s25] =	ssyncadd.s32 $0xFFFFC000  }
0x162: {  	[hbm4b:s30+s1] =	stream.linear.scatter [tilespmem:s28], [sflag:$0xD], $0x4000, $0x38;
	[tilespmem:$0x1E740] =	vst v63  }
0x163: {  	_ =	swait.ge [sflag:s10], $0x4000  }
0x164: {  	[sflag:s10] =	ssyncset.done $0x0  }
0x165: {  	s31 =	rddreg [dreg:$0x1e];
	[sflag:s10] =	ssyncadd.s32 $0xFFFFC000  }
0x166: {  	[tilespmem:s6], [sflag:$0x4] =	stream.indirect.gather [spmem:s3], $0x80, s31, s14, $0xb8;
	[tilespmem:$0x1E740] =	vst v63  }
0x167: {  	_ =	swait.ge [sflag:s24], $0x4000  }
0x168: {  	[sflag:s24] =	ssyncset.done $0x0  }
0x169: {  	s22 =	rddreg [dreg:$0x12];
	[sflag:s24] =	ssyncadd.s32 $0xFFFFC000  }
0x16a: {  	[hbm4b:s22+s1] =	stream.linear.scatter [tilespmem:s23], [sflag:$0xE], $0x4000, $0x38;
	[tilespmem:$0x1E740] =	vst v63  }
0x16b: {  	_ =	swait.ge [sflag:s12], $0x4000  }
0x16c: {  	[sflag:s12] =	ssyncset.done $0x0  }
0x16d: {  	s25 =	rddreg [dreg:$0x1f];
	[sflag:s12] =	ssyncadd.s32 $0xFFFFC000  }
0x16e: {  	[tilespmem:s4], [sflag:$0x5] =	stream.indirect.gather [hbm4b:s2+s14], $0x80, s25, s14, $0xb8;
	[tilespmem:$0x1E740] =	vst v63  }
0x16f: {  	_ =	swait.ge [sflag:s18], $0x4000  }
0x170: {  	[sflag:s18] =	ssyncset.done $0x0  }
0x171: {  	s26 =	rddreg [dreg:$0x13];
	[sflag:s18] =	ssyncadd.s32 $0xFFFFC000  }
0x172: {  	[hbm4b:s26+s1] =	stream.linear.scatter [tilespmem:s13], [sflag:$0x8], $0x4000, $0x38;
	[tilespmem:$0x1E740] =	vst v63  }
0x173: {  	_ =	swait.ge [sflag:s19], $0x4000  }
0x174: {  	[sflag:s19] =	ssyncset.done $0x0  }
0x175: {  	s28 =	rddreg [dreg:$0x14];
	[sflag:s19] =	ssyncadd.s32 $0xFFFFC000  }
0x176: {  	[hbm4b:s28+s1] =	stream.linear.scatter [tilespmem:s11], [sflag:$0x9], $0x4000, $0x38;
	[tilespmem:$0x1E740] =	vst v63  }
0x177: {  	_ =	swait.ge [sflag:s17], $0x4000  }
0x178: {  	[sflag:s17] =	ssyncset.done $0x0  }
0x179: {  	s29 =	rddreg [dreg:$0x15];
	[sflag:s17] =	ssyncadd.s32 $0xFFFFC000  }
0x17a: {  	[hbm4b:s29+s1] =	stream.linear.scatter [tilespmem:s9], [sflag:$0xA], $0x4000, $0x38;
	[tilespmem:$0x1E740] =	vst v63  }
0x17b: {  	_ =	swait.ge [sflag:s15], $0x4000  }
0x17c: {  	[sflag:s15] =	ssyncset.done $0x0  }
0x17d: {  	s30 =	rddreg [dreg:$0x16];
	[sflag:s15] =	ssyncadd.s32 $0xFFFFC000  }
0x17e: {  	[hbm4b:s30+s1] =	stream.linear.scatter [tilespmem:s6], [sflag:$0xB], $0x4000, $0x38;
	[tilespmem:$0x1E740] =	vst v63  }
0x17f: {  	_ =	swait.ge [sflag:s16], $0x4000  }
0x180: {  	[sflag:s16] =	ssyncset.done $0x0  }
0x181: {  	s31 =	rddreg [dreg:$0x17];
	[sflag:s16] =	ssyncadd.s32 $0xFFFFC000  }
0x182: {  	[hbm4b:s31+s1] =	stream.linear.scatter [tilespmem:s4], [sflag:$0xC], $0x4000, $0x38;
	[tilespmem:$0x1E740] =	vst v63  }
0x183: {  	_ =	swait.ge [sflag:s21], $0x4000  }
0x184: {  	[sflag:s21] =	ssyncset.done $0x0  }
0x185: {  	[sflag:s21] =	ssyncadd.s32 $0xFFFFC000  }
0x186: {  	_ =	swait.ge [sflag:s20], $0x4000  }
0x187: {  	[sflag:s20] =	ssyncset.done $0x0  }
0x188: {  	[sflag:s20] =	ssyncadd.s32 $0xFFFFC000  }
0x189: {  	_ =	swait.ge [sflag:s5], $0x4000  }
0x18a: {  	[sflag:s5] =	ssyncset.done $0x0  }
0x18b: {  	[sflag:s5] =	ssyncadd.s32 $0xFFFFC000  }
0x18c: {  	_ =	swait.ge [sflag:s7], $0x4000  }
0x18d: {  	[sflag:s7] =	ssyncset.done $0x0  }
0x18e: {  	[sflag:s7] =	ssyncadd.s32 $0xFFFFC000  }
0x18f: {  	_ =	swait.ge [sflag:s8], $0x4000  }
0x190: {  	[sflag:s8] =	ssyncset.done $0x0  }
0x191: {  	[sflag:s8] =	ssyncadd.s32 $0xFFFFC000  }
0x192: {  	_ =	swait.ge [sflag:s10], $0x4000  }
0x193: {  	[sflag:s10] =	ssyncset.done $0x0  }
0x194: {  	[sflag:s10] =	ssyncadd.s32 $0xFFFFC000  }
0x195: {  	_ =	swait.ge [sflag:s12], $0x4000  }
0x196: {  	[sflag:s12] =	ssyncset.done $0x0  }
0x197: {  	[sflag:s12] =	ssyncadd.s32 $0xFFFFC000  }
0x198: {  	_ =	sfence.sel $0x180000  }
0x199: {  	[bflag:$0x0] =	sbarrier.arrive $0xFFFF  }
0x19a: {  	_ =	strace $0x90000047  }
0x19b: {  	[bflag:$0x2] =	sbarrier.arrive $0xFFFF  }
0x19c: {  	s0 =	rddreg [dreg:$0x7]  }
0x19d: {  	s0 =	sadd.s32 @!p0 $0x100000, s0  }
0x19e: {  	[sflag:s0] =	ssyncadd.tile.s32 @!p0 $0x1;
	_ =	shalt  }
.LBB2_1:
.Ltmp3:
0x19f: {  	(pc) =	sbr.rel .LBB2_6-.Ltmp3, $2  }
0x1a0: {  	_ =	sdelay $0x1  }
0x1a1: {  	s26 =	sld [smem:$0x7FD];
	_ =	sdelay $0x1  }
.LBB2_7:
.Ltmp4:
0x1a2: {  	(pc) =	sbr.rel .LBB2_6-.Ltmp4, $3  }
0x1a3: {  	_ =	sdelay $0x1  }
0x1a4: {  	s26 =	sld [smem:$0x7FD];
	s23 =	simm.s32 $0x18800  }
0x1a5: {  	s28 =	simm.s32 $0x14800;
	s30 =	simm.s32 $0x200;
	s31 =	simm.s32 $0x400  }
.Lfunc_end2:
_tile_overlayer_lowered:
.L_overlay_start_2:
0x1a6: {  	(tag) =	ssettag $0x2  }
0x1a7: {  	s0 =	rddreg [dreg:$0x0];
	s2 =	stileid.u32  }
0x1a8: {  	s1 =	rddreg [dreg:$0x1];
	p0 =	sne.s32 s2, $0x0  }
0x1a9: {  	s3 =	rddreg [dreg:$0x2];
	[bflag:$0x3] =	sbarrier.arrive $0xFFFF;
	s2 =	simm.s32 @!p0 $0x1C0F  }
0x1aa: {  	[timem:s3], [sflag:s2] =	dma.local @!p0 [hbm:s0], s1  }
0x1ab: {  	s0 =	simm.s32 @!p0 $0xF  }
0x1ac: {  	_ =	swait.ge @!p0 [sflag:s0], s1  }
0x1ad: {  	s1 =	ssub.s32 @!p0 $0x0, s1;
	[sflag:s0] =	ssyncset.done @!p0 $0x0  }
0x1ae: {  	[sflag:s0] =	ssyncadd.s32 @!p0 s1  }
0x1af: {  	[bflag:$0x3] =	sbarrier.arrive $0xFFFF  }
0x1b0: {  	_ =	shalt  }

</sc_bundles>
